<compile_context>
chip_gen: v7x
topology: tpu7x:2x2x1
jax: 0.10.2.dev20260603
libtpu: 0.0.44.dev20260713+nightly
codegen_flags: <defaults>
</compile_context>

<pallas_src>
import functools

import jax
import jax.numpy as jnp
from jax import lax
from jax.experimental import pallas as pl
from jax.experimental.pallas import tpu as pltpu
from jax.experimental.pallas import tpu_sc as plsc

_NS_DT = 0.1
_NS_STEP = 40
_K = 16
_L = 16
_NC = 2
_NSUB = 16


def _knn_edges_sc(xs, ys, xb, yb, nbatch):
    nx = xs.shape[0]
    nw = _NC * _NSUB
    qpw = nx // nw
    ngroups = nx // _L
    mesh = plsc.VectorSubcoreMesh(core_axis_name="c", subcore_axis_name="s")

    @functools.partial(
        pl.kernel,
        out_type=jax.ShapeDtypeStruct((2 * nbatch * nx * _K,), jnp.int32),
        mesh=mesh,
        compiler_params=pltpu.CompilerParams(needs_layout_passes=False),
        scratch_types=[
            pltpu.VMEM((nx + _L,), jnp.float32),
            pltpu.VMEM((nx + _L,), jnp.float32),
            pltpu.VMEM((nx + _L,), jnp.float32),
            pltpu.VMEM((nx + _L,), jnp.float32),
            pltpu.VMEM((nx + _L,), jnp.float32),
            pltpu.VMEM((nx + _L,), jnp.int32),
            pltpu.VMEM((qpw * _K,), jnp.int32),
            pltpu.VMEM((qpw * _K,), jnp.int32),
            pltpu.VMEM((qpw * _K,), jnp.int32),
        ],
    )
    def knn(xs_hbm, ys_hbm, xb_hbm, yb_hbm, out_hbm,
            xs_v, ys_v, xb_v, yb_v, sq_v, ji_v, out_v, dst_v, tmp_v):
        wid = lax.axis_index("s") * _NC + lax.axis_index("c")
        pltpu.sync_copy(xs_hbm, xs_v.at[pl.ds(0, nx)])
        pltpu.sync_copy(ys_hbm, ys_v.at[pl.ds(0, nx)])
        pltpu.sync_copy(xb_hbm, xb_v.at[pl.ds(0, nx)])
        pltpu.sync_copy(yb_hbm, yb_v.at[pl.ds(0, nx)])

        ramp = lax.broadcasted_iota(jnp.int32, (_L,), 0)

        def sq_body(g, carry):
            xv = xs_v[pl.ds(g * _L, _L)]
            yv = ys_v[pl.ds(g * _L, _L)]
            sq_v[pl.ds(g * _L, _L)] = xv * xv + yv * yv
            ji_v[pl.ds(g * _L, _L)] = ramp + g * _L
            return carry

        lax.fori_loop(0, ngroups, sq_body, 0)

        base = wid * qpw
        qb = 4

        def q_body(qblk, carry):
            iq, nxi, nyi, sqi, ivs = [], [], [], [], []
            for k in range(qb):
                i = base + qblk * qb + k
                iq.append(i)
                nxi.append(jnp.full((_L,), xb_v[pl.ds(i, _L)][0],
                                    jnp.float32) * -2.0)
                nyi.append(jnp.full((_L,), yb_v[pl.ds(i, _L)][0],
                                    jnp.float32) * -2.0)
                sqi.append(jnp.full((_L,), sq_v[pl.ds(i, _L)][0],
                                    jnp.float32))
                ivs.append(jnp.full((_L,), i, jnp.int32))

            def c_body(g, bst):
                jx = xb_v[pl.ds(g * _L, _L)]
                jy = yb_v[pl.ds(g * _L, _L)]
                jq = sq_v[pl.ds(g * _L, _L)]
                jv = ji_v[pl.ds(g * _L, _L)]
                out = []
                for k in range(qb):
                    bd, bi = bst[2 * k], bst[2 * k + 1]
                    d = (sqi[k] + jq) + (nxi[k] * jx + nyi[k] * jy)
                    d = jnp.where(jv == ivs[k], jnp.float32(3e38), d)
                    sd, si = plsc.sort_key_val(d, jv)
                    take = sd < bd
                    nd = jnp.minimum(bd, sd)
                    ni = jnp.where(take, si, bi)
                    nd, ni = plsc.sort_key_val(nd, ni, descending=True)
                    out += [nd, ni]
                return tuple(out)

            init = []
            for k in range(qb):
                init += [jnp.full((_L,), 3e38, jnp.float32),
                         jnp.zeros((_L,), jnp.int32)]
            bst = lax.fori_loop(0, ngroups, c_body, tuple(init))
            for k in range(qb):
                q = qblk * qb + k
                _, fi = plsc.sort_key_val(bst[2 * k], bst[2 * k + 1])
                out_v[pl.ds(q * _K, _K)] = fi
                dst_v[pl.ds(q * _K, _K)] = jnp.full((_L,), base + q,
                                                    jnp.int32)
            return carry

        lax.fori_loop(0, qpw // qb, q_body, 0)

        nqk = qpw * _K

        def off_body(c, boff):
            tmp_v[pl.ds(c * _L, _L)] = out_v[pl.ds(c * _L, _L)] + boff
            return boff

        def dst_body(c, boff):
            tmp_v[pl.ds(c * _L, _L)] = dst_v[pl.ds(c * _L, _L)] + boff
            return boff

        for b in range(nbatch):
            lax.fori_loop(0, nqk // _L, off_body, jnp.int32(b * nx))
            pltpu.sync_copy(
                tmp_v, out_hbm.at[pl.ds(b * nx * _K + base * _K, nqk)])
        for b in range(nbatch):
            lax.fori_loop(0, nqk // _L, dst_body, jnp.int32(b * nx))
            pltpu.sync_copy(
                tmp_v,
                out_hbm.at[pl.ds((nbatch + b) * nx * _K + base * _K, nqk)])

    return knn(xs, ys, xb, yb).reshape(2, nbatch * nx * _K)


def kernel(data, labels, x, nu, steps):
    B, tw, nx = data.shape
    nt = _NS_STEP
    tmax = _NS_STEP * _NS_DT
    t = jnp.linspace(0.0, tmax, nt)

    u = jnp.transpose(data, (0, 2, 1)).reshape(B * nx, tw)
    y = jnp.transpose(labels, (0, 2, 1)).reshape(B * nx, tw)

    x0 = x[0]
    xb = lax.reduce_precision(x0, exponent_bits=8, mantissa_bits=7)
    edge_index = _knn_edges_sc(x0[:, 0], x0[:, 1], xb[:, 0], xb[:, 1], B)

    x_pos = jnp.tile(x0, (B, 1))
    t_pos = jnp.repeat(t[steps], nx)[:, None]
    pos = jnp.concatenate([t_pos, x_pos], axis=-1)
    batch = jnp.repeat(jnp.arange(B, dtype=jnp.int32), nx)
    parameters = nu
    return (u, edge_index, y, pos, batch, parameters)

# --- scband reference (transcript-rebuilt; emitter-appended) ---
"""Pipeline reference for scband-graph-creator-2173253452128 (READ-ONLY COPY).

The authoritative reference and input builder live on the scoring server;
editing this copy changes nothing except your own understanding.
"""

import jax, jax.numpy as jnp
import numpy as np

NS_DT = 0.1
NS_STEP = 40
K_NEIGHBORS = 16


def setup_inputs(seed: int = 0):
    key = jax.random.key(seed)
    ks = jax.random.split(key, 5)
    B, tw, nx = 8, 5, 2048
    data = jax.random.normal(ks[0], (B, tw, nx), dtype=jnp.float32)
    labels = jax.random.normal(ks[1], (B, tw, nx), dtype=jnp.float32)
    x = jax.random.uniform(ks[2], (B, nx, 2), dtype=jnp.float32)
    nu = jax.random.uniform(ks[3], (B, 1), dtype=jnp.float32)
    steps = jax.random.randint(ks[4], (B,), 0, 35)
    return {"data": data, "labels": labels, "x": x, "nu": nu, "steps": steps}


def _knn_graph(x_pos, k, B, nx):
    # Faithful to torch_geometric knn_graph(x_pos, k, batch, loop=False):
    # for each node find k nearest neighbors within the same batch segment;
    # edge_index[0]=source(neighbor), edge_index[1]=target(query node).
    pos = x_pos.reshape(B, nx, -1)

    def per_batch(p):
        sq = jnp.sum(p * p, axis=-1)
        d2 = sq[:, None] + sq[None, :] - 2.0 * (p @ p.T)
        d2 = d2 + jnp.eye(nx, dtype=d2.dtype) * 1e10  # loop=False: exclude self
        _, idx = jax.lax.top_k(-d2, k)
        return idx

    idx = jax.vmap(per_batch)(pos)  # [B, nx, k] local indices
    offsets = (jnp.arange(B) * nx)[:, None, None]
    src = (idx + offsets).reshape(-1)
    dst = jnp.repeat(jnp.arange(B * nx), k)
    return jnp.stack([src.astype(jnp.int64), dst.astype(jnp.int64)], axis=0)


def reference(data, labels, x, nu, steps):
    # GraphCreator.create_graph for pde='ns'
    B, tw, nx = data.shape
    nt = NS_STEP
    tmax = NS_STEP * NS_DT
    t = jnp.linspace(0.0, tmax, nt)
    # u: per-node feature = time window, stacked over batch -> [B*nx, tw]
    u = jnp.transpose(data, (0, 2, 1)).reshape(B * nx, tw)
    y = jnp.transpose(labels, (0, 2, 1)).reshape(B * nx, tw)
    # x_pos: x[0] repeated for every batch entry (shared grid)
    x_pos = jnp.tile(x[0], (B, 1))
    t_pos = jnp.repeat(t[steps], nx)[:, None]
    batch = jnp.repeat(jnp.arange(B), nx)
    edge_index = _knn_graph(x_pos, K_NEIGHBORS, B, nx)
    pos = jnp.concatenate([t_pos, x_pos], axis=-1)
    # graph.parameters = cat of variables (here: nu) along last dim
    parameters = nu
    return (u, edge_index, y, pos, batch, parameters)

if __name__ == "__main__":
    import jax
    _d = setup_inputs()
    print(jax.jit(kernel)(*tuple(_d.values())))

</pallas_src>

<mosaic_0001>
#map = affine_map<(d0, d1) -> (0)>
module attributes {stable_mosaic.version = 14 : i64} {
  func.func @knn(%arg0: i32, %arg1: i32, %arg2: memref<2048xf32, #tpu.memory_space<hbm>>, %arg3: memref<2048xf32, #tpu.memory_space<hbm>>, %arg4: memref<2048xf32, #tpu.memory_space<hbm>>, %arg5: memref<2048xf32, #tpu.memory_space<hbm>>, %arg6: memref<524288xi32, #tpu.memory_space<hbm>>, %arg7: memref<2064xf32, #tpu.memory_space<vmem>>, %arg8: memref<2064xf32, #tpu.memory_space<vmem>>, %arg9: memref<2064xf32, #tpu.memory_space<vmem>>, %arg10: memref<2064xf32, #tpu.memory_space<vmem>>, %arg11: memref<2064xf32, #tpu.memory_space<vmem>>, %arg12: memref<2064xi32, #tpu.memory_space<vmem>>, %arg13: memref<1024xi32, #tpu.memory_space<vmem>>, %arg14: memref<1024xi32, #tpu.memory_space<vmem>>, %arg15: memref<1024xi32, #tpu.memory_space<vmem>>) attributes {dimension_semantics = [#tpu.dimension_semantics<core_parallel>, #tpu.dimension_semantics<subcore_parallel>], iteration_bounds = array<i64: 2, 16>, scalar_prefetch = 0 : i64, scratch_operands = 9 : i64, tpu.core_type = #tpu.core_type<sc_vector_subcore>, window_params = [{transform_indices = #map}, {transform_indices = #map}, {transform_indices = #map}, {transform_indices = #map}, {transform_indices = #map}]} {
    %mul3A = arith.constant 2 : i32
    %mul3A_0 = arith.muli %arg1, %mul3A : i32
    %add3A = arith.addi %mul3A_0, %arg0 : i32
    "tpu.region"() ({
      %run_scoped3A = tpu.sem_alloc : memref<!tpu.dma_semaphore, #tpu.memory_space<semaphore_mem>>
      %dma_start3A = arith.constant 0 : i32
      %dma_start3A_174 = tpu.memref_slice %arg7[%dma_start3A] : memref<2064xf32, #tpu.memory_space<vmem>> -> memref<2048xf32, #tpu.memory_space<vmem>>
      %dma_start3A_175 = arith.constant 0 : i32
      %dma_start3A_176 = tpu.memref_slice %arg7[%dma_start3A_175] : memref<2064xf32, #tpu.memory_space<vmem>> -> memref<2048xf32, #tpu.memory_space<vmem>>
      tpu.enqueue_dma source(%arg2 : memref<2048xf32, #tpu.memory_space<hbm>>) target(%dma_start3A_176 : memref<2048xf32, #tpu.memory_space<vmem>>) target_semaphore(%run_scoped3A : memref<!tpu.dma_semaphore, #tpu.memory_space<semaphore_mem>>)
      %dma_wait3A = arith.constant 0 : i32
      %dma_wait3A_177 = tpu.memref_slice %arg7[%dma_wait3A] : memref<2064xf32, #tpu.memory_space<vmem>> -> memref<2048xf32, #tpu.memory_space<vmem>>
      %dma_wait3A_178 = arith.constant 0 : i32
      %dma_wait3A_179 = tpu.memref_slice %arg7[%dma_wait3A_178] : memref<2064xf32, #tpu.memory_space<vmem>> -> memref<2048xf32, #tpu.memory_space<vmem>>
      tpu.wait_dma2 semaphore(%run_scoped3A : memref<!tpu.dma_semaphore, #tpu.memory_space<semaphore_mem>>) src(%arg2 : memref<2048xf32, #tpu.memory_space<hbm>>) dst(%dma_wait3A_179 : memref<2048xf32, #tpu.memory_space<vmem>>)
      tpu.yield
    }) : () -> ()
    "tpu.region"() ({
      %run_scoped3A = tpu.sem_alloc : memref<!tpu.dma_semaphore, #tpu.memory_space<semaphore_mem>>
      %dma_start3A = arith.constant 0 : i32
      %dma_start3A_174 = tpu.memref_slice %arg8[%dma_start3A] : memref<2064xf32, #tpu.memory_space<vmem>> -> memref<2048xf32, #tpu.memory_space<vmem>>
      %dma_start3A_175 = arith.constant 0 : i32
      %dma_start3A_176 = tpu.memref_slice %arg8[%dma_start3A_175] : memref<2064xf32, #tpu.memory_space<vmem>> -> memref<2048xf32, #tpu.memory_space<vmem>>
      tpu.enqueue_dma source(%arg3 : memref<2048xf32, #tpu.memory_space<hbm>>) target(%dma_start3A_176 : memref<2048xf32, #tpu.memory_space<vmem>>) target_semaphore(%run_scoped3A : memref<!tpu.dma_semaphore, #tpu.memory_space<semaphore_mem>>)
      %dma_wait3A = arith.constant 0 : i32
      %dma_wait3A_177 = tpu.memref_slice %arg8[%dma_wait3A] : memref<2064xf32, #tpu.memory_space<vmem>> -> memref<2048xf32, #tpu.memory_space<vmem>>
      %dma_wait3A_178 = arith.constant 0 : i32
      %dma_wait3A_179 = tpu.memref_slice %arg8[%dma_wait3A_178] : memref<2064xf32, #tpu.memory_space<vmem>> -> memref<2048xf32, #tpu.memory_space<vmem>>
      tpu.wait_dma2 semaphore(%run_scoped3A : memref<!tpu.dma_semaphore, #tpu.memory_space<semaphore_mem>>) src(%arg3 : memref<2048xf32, #tpu.memory_space<hbm>>) dst(%dma_wait3A_179 : memref<2048xf32, #tpu.memory_space<vmem>>)
      tpu.yield
    }) : () -> ()
    "tpu.region"() ({
      %run_scoped3A = tpu.sem_alloc : memref<!tpu.dma_semaphore, #tpu.memory_space<semaphore_mem>>
      %dma_start3A = arith.constant 0 : i32
      %dma_start3A_174 = tpu.memref_slice %arg9[%dma_start3A] : memref<2064xf32, #tpu.memory_space<vmem>> -> memref<2048xf32, #tpu.memory_space<vmem>>
      %dma_start3A_175 = arith.constant 0 : i32
      %dma_start3A_176 = tpu.memref_slice %arg9[%dma_start3A_175] : memref<2064xf32, #tpu.memory_space<vmem>> -> memref<2048xf32, #tpu.memory_space<vmem>>
      tpu.enqueue_dma source(%arg4 : memref<2048xf32, #tpu.memory_space<hbm>>) target(%dma_start3A_176 : memref<2048xf32, #tpu.memory_space<vmem>>) target_semaphore(%run_scoped3A : memref<!tpu.dma_semaphore, #tpu.memory_space<semaphore_mem>>)
      %dma_wait3A = arith.constant 0 : i32
      %dma_wait3A_177 = tpu.memref_slice %arg9[%dma_wait3A] : memref<2064xf32, #tpu.memory_space<vmem>> -> memref<2048xf32, #tpu.memory_space<vmem>>
      %dma_wait3A_178 = arith.constant 0 : i32
      %dma_wait3A_179 = tpu.memref_slice %arg9[%dma_wait3A_178] : memref<2064xf32, #tpu.memory_space<vmem>> -> memref<2048xf32, #tpu.memory_space<vmem>>
      tpu.wait_dma2 semaphore(%run_scoped3A : memref<!tpu.dma_semaphore, #tpu.memory_space<semaphore_mem>>) src(%arg4 : memref<2048xf32, #tpu.memory_space<hbm>>) dst(%dma_wait3A_179 : memref<2048xf32, #tpu.memory_space<vmem>>)
      tpu.yield
    }) : () -> ()
    "tpu.region"() ({
      %run_scoped3A = tpu.sem_alloc : memref<!tpu.dma_semaphore, #tpu.memory_space<semaphore_mem>>
      %dma_start3A = arith.constant 0 : i32
      %dma_start3A_174 = tpu.memref_slice %arg10[%dma_start3A] : memref<2064xf32, #tpu.memory_space<vmem>> -> memref<2048xf32, #tpu.memory_space<vmem>>
      %dma_start3A_175 = arith.constant 0 : i32
      %dma_start3A_176 = tpu.memref_slice %arg10[%dma_start3A_175] : memref<2064xf32, #tpu.memory_space<vmem>> -> memref<2048xf32, #tpu.memory_space<vmem>>
      tpu.enqueue_dma source(%arg5 : memref<2048xf32, #tpu.memory_space<hbm>>) target(%dma_start3A_176 : memref<2048xf32, #tpu.memory_space<vmem>>) target_semaphore(%run_scoped3A : memref<!tpu.dma_semaphore, #tpu.memory_space<semaphore_mem>>)
      %dma_wait3A = arith.constant 0 : i32
      %dma_wait3A_177 = tpu.memref_slice %arg10[%dma_wait3A] : memref<2064xf32, #tpu.memory_space<vmem>> -> memref<2048xf32, #tpu.memory_space<vmem>>
      %dma_wait3A_178 = arith.constant 0 : i32
      %dma_wait3A_179 = tpu.memref_slice %arg10[%dma_wait3A_178] : memref<2064xf32, #tpu.memory_space<vmem>> -> memref<2048xf32, #tpu.memory_space<vmem>>
      tpu.wait_dma2 semaphore(%run_scoped3A : memref<!tpu.dma_semaphore, #tpu.memory_space<semaphore_mem>>) src(%arg5 : memref<2048xf32, #tpu.memory_space<hbm>>) dst(%dma_wait3A_179 : memref<2048xf32, #tpu.memory_space<vmem>>)
      tpu.yield
    }) : () -> ()
    %iota3A = tpu.iota {dimensions = array<i32: 0>} : vector<16xi32>
    %scan3A = arith.constant 0 : i32
    %scan3A_1 = arith.constant 0 : i32
    %scan3A_2 = arith.constant 128 : i32
    %scan3A_3 = arith.addi %scan3A_1, %scan3A_2 : i32
    %scan3A_4 = arith.constant 1 : i32
    scf.for %scan3A_174 = %scan3A_1 to %scan3A_3 step %scan3A_4  : i32 {
      %mul3A_175 = arith.constant 16 : i32
      %mul3A_176 = arith.muli %scan3A_174, %mul3A_175 : i32
      %get3A = arith.index_cast %mul3A_176 : i32 to index
      %get3A_177 = tpu.vector_load %arg7[%get3A] {strides = array<i32>} : memref<2064xf32, #tpu.memory_space<vmem>>, vector<16xf32>,
      %mul3A_178 = arith.constant 16 : i32
      %mul3A_179 = arith.muli %scan3A_174, %mul3A_178 : i32
      %get3A_180 = arith.index_cast %mul3A_179 : i32 to index
      %get3A_181 = tpu.vector_load %arg8[%get3A_180] {strides = array<i32>} : memref<2064xf32, #tpu.memory_space<vmem>>, vector<16xf32>,
      %mul3A_182 = arith.mulf %get3A_177, %get3A_177 : vector<16xf32>
      %mul3A_183 = arith.mulf %get3A_181, %get3A_181 : vector<16xf32>
      %add3A_184 = arith.addf %mul3A_182, %mul3A_183 : vector<16xf32>
      %mul3A_185 = arith.constant 16 : i32
      %mul3A_186 = arith.muli %scan3A_174, %mul3A_185 : i32
      %swap3A = arith.index_cast %mul3A_186 : i32 to index
      %swap3A_187 = tpu.vector_load %arg11[%swap3A] {strides = array<i32>} : memref<2064xf32, #tpu.memory_space<vmem>>, vector<16xf32>,
      tpu.vector_store %arg11[%swap3A], %add3A_184 {strides = array<i32>} : memref<2064xf32, #tpu.memory_space<vmem>>, vector<16xf32>,
      %mul3A_188 = arith.constant 16 : i32
      %mul3A_189 = arith.muli %scan3A_174, %mul3A_188 : i32
      %add3A_190 = vector.broadcast %mul3A_189 : i32 to vector<16xi32>
      %add3A_191 = arith.addi %iota3A, %add3A_190 : vector<16xi32>
      %mul3A_192 = arith.constant 16 : i32
      %mul3A_193 = arith.muli %scan3A_174, %mul3A_192 : i32
      %swap3A_194 = arith.index_cast %mul3A_193 : i32 to index
      %swap3A_195 = tpu.vector_load %arg12[%swap3A_194] {strides = array<i32>} : memref<2064xi32, #tpu.memory_space<vmem>>, vector<16xi32>,
      tpu.vector_store %arg12[%swap3A_194], %add3A_191 {strides = array<i32>} : memref<2064xi32, #tpu.memory_space<vmem>>, vector<16xi32>,
    }
    %scan3A_5 = arith.constant 128 : i32
    %mul3A_6 = arith.constant 64 : i32
    %mul3A_7 = arith.muli %add3A, %mul3A_6 : i32
    %scan3A_8 = arith.constant 0 : i32
    %scan3A_9 = arith.constant 0 : i32
    %scan3A_10 = arith.constant 16 : i32
    %scan3A_11 = arith.addi %scan3A_9, %scan3A_10 : i32
    %scan3A_12 = arith.constant 1 : i32
    scf.for %scan3A_174 = %scan3A_9 to %scan3A_11 step %scan3A_12  : i32 {
      %mul3A_175 = arith.constant 4 : i32
      %mul3A_176 = arith.muli %scan3A_174, %mul3A_175 : i32
      %add3A_177 = arith.addi %mul3A_7, %mul3A_176 : i32
      %add3A_178 = arith.constant 0 : i32
      %add3A_179 = arith.addi %add3A_177, %add3A_178 : i32
      %get3A = arith.index_cast %add3A_179 : i32 to index
      %get3A_180 = tpu.vector_load %arg9[%get3A] {strides = array<i32>} : memref<2064xf32, #tpu.memory_space<vmem>>, vector<16xf32>,
      %slice3A = vector.extract_strided_slice %get3A_180 {offsets = [0], sizes = [1], strides = [1]} : vector<16xf32> to vector<1xf32>
      %squeeze3A = vector.extract %slice3A[0] : f32 from vector<1xf32>
      %broadcast_in_dim3A = vector.broadcast %squeeze3A : f32 to vector<16xf32>
      %mul3A_181 = arith.constant -2.000000e+00 : f32
      %mul3A_182 = vector.broadcast %mul3A_181 : f32 to vector<16xf32>
      %mul3A_183 = arith.mulf %broadcast_in_dim3A, %mul3A_182 : vector<16xf32>
      %get3A_184 = arith.index_cast %add3A_179 : i32 to index
      %get3A_185 = tpu.vector_load %arg10[%get3A_184] {strides = array<i32>} : memref<2064xf32, #tpu.memory_space<vmem>>, vector<16xf32>,
      %slice3A_186 = vector.extract_strided_slice %get3A_185 {offsets = [0], sizes = [1], strides = [1]} : vector<16xf32> to vector<1xf32>
      %squeeze3A_187 = vector.extract %slice3A_186[0] : f32 from vector<1xf32>
      %broadcast_in_dim3A_188 = vector.broadcast %squeeze3A_187 : f32 to vector<16xf32>
      %mul3A_189 = arith.constant -2.000000e+00 : f32
      %mul3A_190 = vector.broadcast %mul3A_189 : f32 to vector<16xf32>
      %mul3A_191 = arith.mulf %broadcast_in_dim3A_188, %mul3A_190 : vector<16xf32>
      %get3A_192 = arith.index_cast %add3A_179 : i32 to index
      %get3A_193 = tpu.vector_load %arg11[%get3A_192] {strides = array<i32>} : memref<2064xf32, #tpu.memory_space<vmem>>, vector<16xf32>,
      %slice3A_194 = vector.extract_strided_slice %get3A_193 {offsets = [0], sizes = [1], strides = [1]} : vector<16xf32> to vector<1xf32>
      %squeeze3A_195 = vector.extract %slice3A_194[0] : f32 from vector<1xf32>
      %broadcast_in_dim3A_196 = vector.broadcast %squeeze3A_195 : f32 to vector<16xf32>
      %broadcast_in_dim3A_197 = vector.broadcast %add3A_179 : i32 to vector<16xi32>
      %mul3A_198 = arith.constant 4 : i32
      %mul3A_199 = arith.muli %scan3A_174, %mul3A_198 : i32
      %add3A_200 = arith.addi %mul3A_7, %mul3A_199 : i32
      %add3A_201 = arith.constant 1 : i32
      %add3A_202 = arith.addi %add3A_200, %add3A_201 : i32
      %get3A_203 = arith.index_cast %add3A_202 : i32 to index
      %get3A_204 = tpu.vector_load %arg9[%get3A_203] {strides = array<i32>} : memref<2064xf32, #tpu.memory_space<vmem>>, vector<16xf32>,
      %slice3A_205 = vector.extract_strided_slice %get3A_204 {offsets = [0], sizes = [1], strides = [1]} : vector<16xf32> to vector<1xf32>
      %squeeze3A_206 = vector.extract %slice3A_205[0] : f32 from vector<1xf32>
      %broadcast_in_dim3A_207 = vector.broadcast %squeeze3A_206 : f32 to vector<16xf32>
      %mul3A_208 = arith.constant -2.000000e+00 : f32
      %mul3A_209 = vector.broadcast %mul3A_208 : f32 to vector<16xf32>
      %mul3A_210 = arith.mulf %broadcast_in_dim3A_207, %mul3A_209 : vector<16xf32>
      %get3A_211 = arith.index_cast %add3A_202 : i32 to index
      %get3A_212 = tpu.vector_load %arg10[%get3A_211] {strides = array<i32>} : memref<2064xf32, #tpu.memory_space<vmem>>, vector<16xf32>,
      %slice3A_213 = vector.extract_strided_slice %get3A_212 {offsets = [0], sizes = [1], strides = [1]} : vector<16xf32> to vector<1xf32>
      %squeeze3A_214 = vector.extract %slice3A_213[0] : f32 from vector<1xf32>
      %broadcast_in_dim3A_215 = vector.broadcast %squeeze3A_214 : f32 to vector<16xf32>
      %mul3A_216 = arith.constant -2.000000e+00 : f32
      %mul3A_217 = vector.broadcast %mul3A_216 : f32 to vector<16xf32>
      %mul3A_218 = arith.mulf %broadcast_in_dim3A_215, %mul3A_217 : vector<16xf32>
      %get3A_219 = arith.index_cast %add3A_202 : i32 to index
      %get3A_220 = tpu.vector_load %arg11[%get3A_219] {strides = array<i32>} : memref<2064xf32, #tpu.memory_space<vmem>>, vector<16xf32>,
      %slice3A_221 = vector.extract_strided_slice %get3A_220 {offsets = [0], sizes = [1], strides = [1]} : vector<16xf32> to vector<1xf32>
      %squeeze3A_222 = vector.extract %slice3A_221[0] : f32 from vector<1xf32>
      %broadcast_in_dim3A_223 = vector.broadcast %squeeze3A_222 : f32 to vector<16xf32>
      %broadcast_in_dim3A_224 = vector.broadcast %add3A_202 : i32 to vector<16xi32>
      %mul3A_225 = arith.constant 4 : i32
      %mul3A_226 = arith.muli %scan3A_174, %mul3A_225 : i32
      %add3A_227 = arith.addi %mul3A_7, %mul3A_226 : i32
      %add3A_228 = arith.constant 2 : i32
      %add3A_229 = arith.addi %add3A_227, %add3A_228 : i32
      %get3A_230 = arith.index_cast %add3A_229 : i32 to index
      %get3A_231 = tpu.vector_load %arg9[%get3A_230] {strides = array<i32>} : memref<2064xf32, #tpu.memory_space<vmem>>, vector<16xf32>,
      %slice3A_232 = vector.extract_strided_slice %get3A_231 {offsets = [0], sizes = [1], strides = [1]} : vector<16xf32> to vector<1xf32>
      %squeeze3A_233 = vector.extract %slice3A_232[0] : f32 from vector<1xf32>
      %broadcast_in_dim3A_234 = vector.broadcast %squeeze3A_233 : f32 to vector<16xf32>
      %mul3A_235 = arith.constant -2.000000e+00 : f32
      %mul3A_236 = vector.broadcast %mul3A_235 : f32 to vector<16xf32>
      %mul3A_237 = arith.mulf %broadcast_in_dim3A_234, %mul3A_236 : vector<16xf32>
      %get3A_238 = arith.index_cast %add3A_229 : i32 to index
      %get3A_239 = tpu.vector_load %arg10[%get3A_238] {strides = array<i32>} : memref<2064xf32, #tpu.memory_space<vmem>>, vector<16xf32>,
      %slice3A_240 = vector.extract_strided_slice %get3A_239 {offsets = [0], sizes = [1], strides = [1]} : vector<16xf32> to vector<1xf32>
      %squeeze3A_241 = vector.extract %slice3A_240[0] : f32 from vector<1xf32>
      %broadcast_in_dim3A_242 = vector.broadcast %squeeze3A_241 : f32 to vector<16xf32>
      %mul3A_243 = arith.constant -2.000000e+00 : f32
      %mul3A_244 = vector.broadcast %mul3A_243 : f32 to vector<16xf32>
      %mul3A_245 = arith.mulf %broadcast_in_dim3A_242, %mul3A_244 : vector<16xf32>
      %get3A_246 = arith.index_cast %add3A_229 : i32 to index
      %get3A_247 = tpu.vector_load %arg11[%get3A_246] {strides = array<i32>} : memref<2064xf32, #tpu.memory_space<vmem>>, vector<16xf32>,
      %slice3A_248 = vector.extract_strided_slice %get3A_247 {offsets = [0], sizes = [1], strides = [1]} : vector<16xf32> to vector<1xf32>
      %squeeze3A_249 = vector.extract %slice3A_248[0] : f32 from vector<1xf32>
      %broadcast_in_dim3A_250 = vector.broadcast %squeeze3A_249 : f32 to vector<16xf32>
      %broadcast_in_dim3A_251 = vector.broadcast %add3A_229 : i32 to vector<16xi32>
      %mul3A_252 = arith.constant 4 : i32
      %mul3A_253 = arith.muli %scan3A_174, %mul3A_252 : i32
      %add3A_254 = arith.addi %mul3A_7, %mul3A_253 : i32
      %add3A_255 = arith.constant 3 : i32
      %add3A_256 = arith.addi %add3A_254, %add3A_255 : i32
      %get3A_257 = arith.index_cast %add3A_256 : i32 to index
      %get3A_258 = tpu.vector_load %arg9[%get3A_257] {strides = array<i32>} : memref<2064xf32, #tpu.memory_space<vmem>>, vector<16xf32>,
      %slice3A_259 = vector.extract_strided_slice %get3A_258 {offsets = [0], sizes = [1], strides = [1]} : vector<16xf32> to vector<1xf32>
      %squeeze3A_260 = vector.extract %slice3A_259[0] : f32 from vector<1xf32>
      %broadcast_in_dim3A_261 = vector.broadcast %squeeze3A_260 : f32 to vector<16xf32>
      %mul3A_262 = arith.constant -2.000000e+00 : f32
      %mul3A_263 = vector.broadcast %mul3A_262 : f32 to vector<16xf32>
      %mul3A_264 = arith.mulf %broadcast_in_dim3A_261, %mul3A_263 : vector<16xf32>
      %get3A_265 = arith.index_cast %add3A_256 : i32 to index
      %get3A_266 = tpu.vector_load %arg10[%get3A_265] {strides = array<i32>} : memref<2064xf32, #tpu.memory_space<vmem>>, vector<16xf32>,
      %slice3A_267 = vector.extract_strided_slice %get3A_266 {offsets = [0], sizes = [1], strides = [1]} : vector<16xf32> to vector<1xf32>
      %squeeze3A_268 = vector.extract %slice3A_267[0] : f32 from vector<1xf32>
      %broadcast_in_dim3A_269 = vector.broadcast %squeeze3A_268 : f32 to vector<16xf32>
      %mul3A_270 = arith.constant -2.000000e+00 : f32
      %mul3A_271 = vector.broadcast %mul3A_270 : f32 to vector<16xf32>
      %mul3A_272 = arith.mulf %broadcast_in_dim3A_269, %mul3A_271 : vector<16xf32>
      %get3A_273 = arith.index_cast %add3A_256 : i32 to index
      %get3A_274 = tpu.vector_load %arg11[%get3A_273] {strides = array<i32>} : memref<2064xf32, #tpu.memory_space<vmem>>, vector<16xf32>,
      %slice3A_275 = vector.extract_strided_slice %get3A_274 {offsets = [0], sizes = [1], strides = [1]} : vector<16xf32> to vector<1xf32>
      %squeeze3A_276 = vector.extract %slice3A_275[0] : f32 from vector<1xf32>
      %broadcast_in_dim3A_277 = vector.broadcast %squeeze3A_276 : f32 to vector<16xf32>
      %broadcast_in_dim3A_278 = vector.broadcast %add3A_256 : i32 to vector<16xi32>
      %broadcast_in_dim3A_279 = arith.constant 3.000000e+38 : f32
      %broadcast_in_dim3A_280 = vector.broadcast %broadcast_in_dim3A_279 : f32 to vector<16xf32>
      %broadcast_in_dim3A_281 = arith.constant 0 : i32
      %broadcast_in_dim3A_282 = vector.broadcast %broadcast_in_dim3A_281 : i32 to vector<16xi32>
      %broadcast_in_dim3A_283 = arith.constant 3.000000e+38 : f32
      %broadcast_in_dim3A_284 = vector.broadcast %broadcast_in_dim3A_283 : f32 to vector<16xf32>
      %broadcast_in_dim3A_285 = arith.constant 0 : i32
      %broadcast_in_dim3A_286 = vector.broadcast %broadcast_in_dim3A_285 : i32 to vector<16xi32>
      %broadcast_in_dim3A_287 = arith.constant 3.000000e+38 : f32
      %broadcast_in_dim3A_288 = vector.broadcast %broadcast_in_dim3A_287 : f32 to vector<16xf32>
      %broadcast_in_dim3A_289 = arith.constant 0 : i32
      %broadcast_in_dim3A_290 = vector.broadcast %broadcast_in_dim3A_289 : i32 to vector<16xi32>
      %broadcast_in_dim3A_291 = arith.constant 3.000000e+38 : f32
      %broadcast_in_dim3A_292 = vector.broadcast %broadcast_in_dim3A_291 : f32 to vector<16xf32>
      %broadcast_in_dim3A_293 = arith.constant 0 : i32
      %broadcast_in_dim3A_294 = vector.broadcast %broadcast_in_dim3A_293 : i32 to vector<16xi32>
      %scan3A_295 = arith.constant 0 : i32
      %scan3A_296 = arith.constant 128 : i32
      %scan3A_297 = arith.addi %scan3A_295, %scan3A_296 : i32
      %scan3A_298 = arith.constant 1 : i32
      %scan3A_299:8 = scf.for %scan3A_371 = %scan3A_295 to %scan3A_297 step %scan3A_298 iter_args(%scan3A_372 = %broadcast_in_dim3A_280, %scan3A_373 = %broadcast_in_dim3A_282, %scan3A_374 = %broadcast_in_dim3A_284, %scan3A_375 = %broadcast_in_dim3A_286, %scan3A_376 = %broadcast_in_dim3A_288, %scan3A_377 = %broadcast_in_dim3A_290, %scan3A_378 = %broadcast_in_dim3A_292, %scan3A_379 = %broadcast_in_dim3A_294) -> (vector<16xf32>, vector<16xi32>, vector<16xf32>, vector<16xi32>, vector<16xf32>, vector<16xi32>, vector<16xf32>, vector<16xi32>)  : i32 {
        %mul3A_380 = arith.constant 16 : i32
        %mul3A_381 = arith.muli %scan3A_371, %mul3A_380 : i32
        %get3A_382 = arith.index_cast %mul3A_381 : i32 to index
        %get3A_383 = tpu.vector_load %arg9[%get3A_382] {strides = array<i32>} : memref<2064xf32, #tpu.memory_space<vmem>>, vector<16xf32>,
        %mul3A_384 = arith.constant 16 : i32
        %mul3A_385 = arith.muli %scan3A_371, %mul3A_384 : i32
        %get3A_386 = arith.index_cast %mul3A_385 : i32 to index
        %get3A_387 = tpu.vector_load %arg10[%get3A_386] {strides = array<i32>} : memref<2064xf32, #tpu.memory_space<vmem>>, vector<16xf32>,
        %mul3A_388 = arith.constant 16 : i32
        %mul3A_389 = arith.muli %scan3A_371, %mul3A_388 : i32
        %get3A_390 = arith.index_cast %mul3A_389 : i32 to index
        %get3A_391 = tpu.vector_load %arg11[%get3A_390] {strides = array<i32>} : memref<2064xf32, #tpu.memory_space<vmem>>, vector<16xf32>,
        %mul3A_392 = arith.constant 16 : i32
        %mul3A_393 = arith.muli %scan3A_371, %mul3A_392 : i32
        %get3A_394 = arith.index_cast %mul3A_393 : i32 to index
        %get3A_395 = tpu.vector_load %arg12[%get3A_394] {strides = array<i32>} : memref<2064xi32, #tpu.memory_space<vmem>>, vector<16xi32>,
        %add3A_396 = arith.addf %broadcast_in_dim3A_196, %get3A_391 : vector<16xf32>
        %mul3A_397 = arith.mulf %mul3A_183, %get3A_383 : vector<16xf32>
        %mul3A_398 = arith.mulf %mul3A_191, %get3A_387 : vector<16xf32>
        %add3A_399 = arith.addf %mul3A_397, %mul3A_398 : vector<16xf32>
        %add3A_400 = arith.addf %add3A_396, %add3A_399 : vector<16xf32>
        %eq3A = arith.cmpi eq, %get3A_395, %broadcast_in_dim3A_197 : vector<16xi32>
        %jit3A = arith.constant 3.000000e+38 : f32
        %broadcast_in_dim3A_401 = vector.broadcast %jit3A : f32 to vector<16xf32>
        %select_n3A = arith.select %eq3A, %broadcast_in_dim3A_401, %add3A_400 : vector<16xi1>, vector<16xf32>
        %masked_sort3A_402 = arith.constant dense<true> : vector<16xi1>
        %masked_sort3A_403, %masked_sort3A_404, %masked_sort3A_405 = tpu.sort %select_n3A, %get3A_395 masked %masked_sort3A_402 : (vector<16xf32>, vector<16xi32>, vector<16xi1>) -> (vector<16xi1>, vector<16xf32>, vector<16xi32>)
        %lt3A = arith.cmpf olt, %masked_sort3A_404, %scan3A_372 : vector<16xf32>
        %min3A = arith.minimumf %scan3A_372, %masked_sort3A_404 : vector<16xf32>
        %select_n3A_406 = arith.select %lt3A, %masked_sort3A_405, %scan3A_373 : vector<16xi1>, vector<16xi32>
        %masked_sort3A_407 = arith.constant dense<true> : vector<16xi1>
        %masked_sort3A_408, %masked_sort3A_409, %masked_sort3A_410 = tpu.sort %min3A, %select_n3A_406 masked %masked_sort3A_407 {descending = true} : (vector<16xf32>, vector<16xi32>, vector<16xi1>) -> (vector<16xi1>, vector<16xf32>, vector<16xi32>)
        %add3A_411 = arith.addf %broadcast_in_dim3A_223, %get3A_391 : vector<16xf32>
        %mul3A_412 = arith.mulf %mul3A_210, %get3A_383 : vector<16xf32>
        %mul3A_413 = arith.mulf %mul3A_218, %get3A_387 : vector<16xf32>
        %add3A_414 = arith.addf %mul3A_412, %mul3A_413 : vector<16xf32>
        %add3A_415 = arith.addf %add3A_411, %add3A_414 : vector<16xf32>
        %eq3A_416 = arith.cmpi eq, %get3A_395, %broadcast_in_dim3A_224 : vector<16xi32>
        %jit3A_417 = arith.constant 3.000000e+38 : f32
        %broadcast_in_dim3A_418 = vector.broadcast %jit3A_417 : f32 to vector<16xf32>
        %select_n3A_419 = arith.select %eq3A_416, %broadcast_in_dim3A_418, %add3A_415 : vector<16xi1>, vector<16xf32>
        %masked_sort3A_420 = arith.constant dense<true> : vector<16xi1>
        %masked_sort3A_421, %masked_sort3A_422, %masked_sort3A_423 = tpu.sort %select_n3A_419, %get3A_395 masked %masked_sort3A_420 : (vector<16xf32>, vector<16xi32>, vector<16xi1>) -> (vector<16xi1>, vector<16xf32>, vector<16xi32>)
        %lt3A_424 = arith.cmpf olt, %masked_sort3A_422, %scan3A_374 : vector<16xf32>
        %min3A_425 = arith.minimumf %scan3A_374, %masked_sort3A_422 : vector<16xf32>
        %select_n3A_426 = arith.select %lt3A_424, %masked_sort3A_423, %scan3A_375 : vector<16xi1>, vector<16xi32>
        %masked_sort3A_427 = arith.constant dense<true> : vector<16xi1>
        %masked_sort3A_428, %masked_sort3A_429, %masked_sort3A_430 = tpu.sort %min3A_425, %select_n3A_426 masked %masked_sort3A_427 {descending = true} : (vector<16xf32>, vector<16xi32>, vector<16xi1>) -> (vector<16xi1>, vector<16xf32>, vector<16xi32>)
        %add3A_431 = arith.addf %broadcast_in_dim3A_250, %get3A_391 : vector<16xf32>
        %mul3A_432 = arith.mulf %mul3A_237, %get3A_383 : vector<16xf32>
        %mul3A_433 = arith.mulf %mul3A_245, %get3A_387 : vector<16xf32>
        %add3A_434 = arith.addf %mul3A_432, %mul3A_433 : vector<16xf32>
        %add3A_435 = arith.addf %add3A_431, %add3A_434 : vector<16xf32>
        %eq3A_436 = arith.cmpi eq, %get3A_395, %broadcast_in_dim3A_251 : vector<16xi32>
        %jit3A_437 = arith.constant 3.000000e+38 : f32
        %broadcast_in_dim3A_438 = vector.broadcast %jit3A_437 : f32 to vector<16xf32>
        %select_n3A_439 = arith.select %eq3A_436, %broadcast_in_dim3A_438, %add3A_435 : vector<16xi1>, vector<16xf32>
        %masked_sort3A_440 = arith.constant dense<true> : vector<16xi1>
        %masked_sort3A_441, %masked_sort3A_442, %masked_sort3A_443 = tpu.sort %select_n3A_439, %get3A_395 masked %masked_sort3A_440 : (vector<16xf32>, vector<16xi32>, vector<16xi1>) -> (vector<16xi1>, vector<16xf32>, vector<16xi32>)
        %lt3A_444 = arith.cmpf olt, %masked_sort3A_442, %scan3A_376 : vector<16xf32>
        %min3A_445 = arith.minimumf %scan3A_376, %masked_sort3A_442 : vector<16xf32>
        %select_n3A_446 = arith.select %lt3A_444, %masked_sort3A_443, %scan3A_377 : vector<16xi1>, vector<16xi32>
        %masked_sort3A_447 = arith.constant dense<true> : vector<16xi1>
        %masked_sort3A_448, %masked_sort3A_449, %masked_sort3A_450 = tpu.sort %min3A_445, %select_n3A_446 masked %masked_sort3A_447 {descending = true} : (vector<16xf32>, vector<16xi32>, vector<16xi1>) -> (vector<16xi1>, vector<16xf32>, vector<16xi32>)
        %add3A_451 = arith.addf %broadcast_in_dim3A_277, %get3A_391 : vector<16xf32>
        %mul3A_452 = arith.mulf %mul3A_264, %get3A_383 : vector<16xf32>
        %mul3A_453 = arith.mulf %mul3A_272, %get3A_387 : vector<16xf32>
        %add3A_454 = arith.addf %mul3A_452, %mul3A_453 : vector<16xf32>
        %add3A_455 = arith.addf %add3A_451, %add3A_454 : vector<16xf32>
        %eq3A_456 = arith.cmpi eq, %get3A_395, %broadcast_in_dim3A_278 : vector<16xi32>
        %jit3A_457 = arith.constant 3.000000e+38 : f32
        %broadcast_in_dim3A_458 = vector.broadcast %jit3A_457 : f32 to vector<16xf32>
        %select_n3A_459 = arith.select %eq3A_456, %broadcast_in_dim3A_458, %add3A_455 : vector<16xi1>, vector<16xf32>
        %masked_sort3A_460 = arith.constant dense<true> : vector<16xi1>
        %masked_sort3A_461, %masked_sort3A_462, %masked_sort3A_463 = tpu.sort %select_n3A_459, %get3A_395 masked %masked_sort3A_460 : (vector<16xf32>, vector<16xi32>, vector<16xi1>) -> (vector<16xi1>, vector<16xf32>, vector<16xi32>)
        %lt3A_464 = arith.cmpf olt, %masked_sort3A_462, %scan3A_378 : vector<16xf32>
        %min3A_465 = arith.minimumf %scan3A_378, %masked_sort3A_462 : vector<16xf32>
        %select_n3A_466 = arith.select %lt3A_464, %masked_sort3A_463, %scan3A_379 : vector<16xi1>, vector<16xi32>
        %masked_sort3A_467 = arith.constant dense<true> : vector<16xi1>
        %masked_sort3A_468, %masked_sort3A_469, %masked_sort3A_470 = tpu.sort %min3A_465, %select_n3A_466 masked %masked_sort3A_467 {descending = true} : (vector<16xf32>, vector<16xi32>, vector<16xi1>) -> (vector<16xi1>, vector<16xf32>, vector<16xi32>)
        scf.yield %masked_sort3A_409, %masked_sort3A_410, %masked_sort3A_429, %masked_sort3A_430, %masked_sort3A_449, %masked_sort3A_450, %masked_sort3A_469, %masked_sort3A_470 : vector<16xf32>, vector<16xi32>, vector<16xf32>, vector<16xi32>, vector<16xf32>, vector<16xi32>, vector<16xf32>, vector<16xi32>
      }
      %scan3A_300 = arith.constant 128 : i32
      %mul3A_301 = arith.constant 4 : i32
      %mul3A_302 = arith.muli %scan3A_174, %mul3A_301 : i32
      %add3A_303 = arith.constant 0 : i32
      %add3A_304 = arith.addi %mul3A_302, %add3A_303 : i32
      %masked_sort3A = arith.constant dense<true> : vector<16xi1>
      %masked_sort3A_305, %masked_sort3A_306, %masked_sort3A_307 = tpu.sort %scan3A_299#0, %scan3A_299#1 masked %masked_sort3A : (vector<16xf32>, vector<16xi32>, vector<16xi1>) -> (vector<16xi1>, vector<16xf32>, vector<16xi32>)
      %mul3A_308 = arith.constant 16 : i32
      %mul3A_309 = arith.muli %add3A_304, %mul3A_308 : i32
      %swap3A = arith.index_cast %mul3A_309 : i32 to index
      %swap3A_310 = tpu.vector_load %arg13[%swap3A] {strides = array<i32>} : memref<1024xi32, #tpu.memory_space<vmem>>, vector<16xi32>,
      tpu.vector_store %arg13[%swap3A], %masked_sort3A_307 {strides = array<i32>} : memref<1024xi32, #tpu.memory_space<vmem>>, vector<16xi32>,
      %add3A_311 = arith.addi %mul3A_7, %add3A_304 : i32
      %broadcast_in_dim3A_312 = vector.broadcast %add3A_311 : i32 to vector<16xi32>
      %mul3A_313 = arith.constant 16 : i32
      %mul3A_314 = arith.muli %add3A_304, %mul3A_313 : i32
      %swap3A_315 = arith.index_cast %mul3A_314 : i32 to index
      %swap3A_316 = tpu.vector_load %arg14[%swap3A_315] {strides = array<i32>} : memref<1024xi32, #tpu.memory_space<vmem>>, vector<16xi32>,
      tpu.vector_store %arg14[%swap3A_315], %broadcast_in_dim3A_312 {strides = array<i32>} : memref<1024xi32, #tpu.memory_space<vmem>>, vector<16xi32>,
      %mul3A_317 = arith.constant 4 : i32
      %mul3A_318 = arith.muli %scan3A_174, %mul3A_317 : i32
      %add3A_319 = arith.constant 1 : i32
      %add3A_320 = arith.addi %mul3A_318, %add3A_319 : i32
      %masked_sort3A_321 = arith.constant dense<true> : vector<16xi1>
      %masked_sort3A_322, %masked_sort3A_323, %masked_sort3A_324 = tpu.sort %scan3A_299#2, %scan3A_299#3 masked %masked_sort3A_321 : (vector<16xf32>, vector<16xi32>, vector<16xi1>) -> (vector<16xi1>, vector<16xf32>, vector<16xi32>)
      %mul3A_325 = arith.constant 16 : i32
      %mul3A_326 = arith.muli %add3A_320, %mul3A_325 : i32
      %swap3A_327 = arith.index_cast %mul3A_326 : i32 to index
      %swap3A_328 = tpu.vector_load %arg13[%swap3A_327] {strides = array<i32>} : memref<1024xi32, #tpu.memory_space<vmem>>, vector<16xi32>,
      tpu.vector_store %arg13[%swap3A_327], %masked_sort3A_324 {strides = array<i32>} : memref<1024xi32, #tpu.memory_space<vmem>>, vector<16xi32>,
      %add3A_329 = arith.addi %mul3A_7, %add3A_320 : i32
      %broadcast_in_dim3A_330 = vector.broadcast %add3A_329 : i32 to vector<16xi32>
      %mul3A_331 = arith.constant 16 : i32
      %mul3A_332 = arith.muli %add3A_320, %mul3A_331 : i32
      %swap3A_333 = arith.index_cast %mul3A_332 : i32 to index
      %swap3A_334 = tpu.vector_load %arg14[%swap3A_333] {strides = array<i32>} : memref<1024xi32, #tpu.memory_space<vmem>>, vector<16xi32>,
      tpu.vector_store %arg14[%swap3A_333], %broadcast_in_dim3A_330 {strides = array<i32>} : memref<1024xi32, #tpu.memory_space<vmem>>, vector<16xi32>,
      %mul3A_335 = arith.constant 4 : i32
      %mul3A_336 = arith.muli %scan3A_174, %mul3A_335 : i32
      %add3A_337 = arith.constant 2 : i32
      %add3A_338 = arith.addi %mul3A_336, %add3A_337 : i32
      %masked_sort3A_339 = arith.constant dense<true> : vector<16xi1>
      %masked_sort3A_340, %masked_sort3A_341, %masked_sort3A_342 = tpu.sort %scan3A_299#4, %scan3A_299#5 masked %masked_sort3A_339 : (vector<16xf32>, vector<16xi32>, vector<16xi1>) -> (vector<16xi1>, vector<16xf32>, vector<16xi32>)
      %mul3A_343 = arith.constant 16 : i32
      %mul3A_344 = arith.muli %add3A_338, %mul3A_343 : i32
      %swap3A_345 = arith.index_cast %mul3A_344 : i32 to index
      %swap3A_346 = tpu.vector_load %arg13[%swap3A_345] {strides = array<i32>} : memref<1024xi32, #tpu.memory_space<vmem>>, vector<16xi32>,
      tpu.vector_store %arg13[%swap3A_345], %masked_sort3A_342 {strides = array<i32>} : memref<1024xi32, #tpu.memory_space<vmem>>, vector<16xi32>,
      %add3A_347 = arith.addi %mul3A_7, %add3A_338 : i32
      %broadcast_in_dim3A_348 = vector.broadcast %add3A_347 : i32 to vector<16xi32>
      %mul3A_349 = arith.constant 16 : i32
      %mul3A_350 = arith.muli %add3A_338, %mul3A_349 : i32
      %swap3A_351 = arith.index_cast %mul3A_350 : i32 to index
      %swap3A_352 = tpu.vector_load %arg14[%swap3A_351] {strides = array<i32>} : memref<1024xi32, #tpu.memory_space<vmem>>, vector<16xi32>,
      tpu.vector_store %arg14[%swap3A_351], %broadcast_in_dim3A_348 {strides = array<i32>} : memref<1024xi32, #tpu.memory_space<vmem>>, vector<16xi32>,
      %mul3A_353 = arith.constant 4 : i32
      %mul3A_354 = arith.muli %scan3A_174, %mul3A_353 : i32
      %add3A_355 = arith.constant 3 : i32
      %add3A_356 = arith.addi %mul3A_354, %add3A_355 : i32
      %masked_sort3A_357 = arith.constant dense<true> : vector<16xi1>
      %masked_sort3A_358, %masked_sort3A_359, %masked_sort3A_360 = tpu.sort %scan3A_299#6, %scan3A_299#7 masked %masked_sort3A_357 : (vector<16xf32>, vector<16xi32>, vector<16xi1>) -> (vector<16xi1>, vector<16xf32>, vector<16xi32>)
      %mul3A_361 = arith.constant 16 : i32
      %mul3A_362 = arith.muli %add3A_356, %mul3A_361 : i32
      %swap3A_363 = arith.index_cast %mul3A_362 : i32 to index
      %swap3A_364 = tpu.vector_load %arg13[%swap3A_363] {strides = array<i32>} : memref<1024xi32, #tpu.memory_space<vmem>>, vector<16xi32>,
      tpu.vector_store %arg13[%swap3A_363], %masked_sort3A_360 {strides = array<i32>} : memref<1024xi32, #tpu.memory_space<vmem>>, vector<16xi32>,
      %add3A_365 = arith.addi %mul3A_7, %add3A_356 : i32
      %broadcast_in_dim3A_366 = vector.broadcast %add3A_365 : i32 to vector<16xi32>
      %mul3A_367 = arith.constant 16 : i32
      %mul3A_368 = arith.muli %add3A_356, %mul3A_367 : i32
      %swap3A_369 = arith.index_cast %mul3A_368 : i32 to index
      %swap3A_370 = tpu.vector_load %arg14[%swap3A_369] {strides = array<i32>} : memref<1024xi32, #tpu.memory_space<vmem>>, vector<16xi32>,
      tpu.vector_store %arg14[%swap3A_369], %broadcast_in_dim3A_366 {strides = array<i32>} : memref<1024xi32, #tpu.memory_space<vmem>>, vector<16xi32>,
    }
    %scan3A_13 = arith.constant 16 : i32
    %scan3A_14 = arith.constant 0 : i32
    %scan3A_15 = arith.constant 0 : i32
    %scan3A_16 = arith.constant 64 : i32
    %scan3A_17 = arith.addi %scan3A_15, %scan3A_16 : i32
    %scan3A_18 = arith.constant 1 : i32
    scf.for %scan3A_174 = %scan3A_15 to %scan3A_17 step %scan3A_18  : i32 {
      %mul3A_175 = arith.constant 16 : i32
      %mul3A_176 = arith.muli %scan3A_174, %mul3A_175 : i32
      %get3A = arith.index_cast %mul3A_176 : i32 to index
      %get3A_177 = tpu.vector_load %arg13[%get3A] {strides = array<i32>} : memref<1024xi32, #tpu.memory_space<vmem>>, vector<16xi32>,
      %add3A_178 = vector.broadcast %scan3A_14 : i32 to vector<16xi32>
      %add3A_179 = arith.addi %get3A_177, %add3A_178 : vector<16xi32>
      %mul3A_180 = arith.constant 16 : i32
      %mul3A_181 = arith.muli %scan3A_174, %mul3A_180 : i32
      %swap3A = arith.index_cast %mul3A_181 : i32 to index
      %swap3A_182 = tpu.vector_load %arg15[%swap3A] {strides = array<i32>} : memref<1024xi32, #tpu.memory_space<vmem>>, vector<16xi32>,
      tpu.vector_store %arg15[%swap3A], %add3A_179 {strides = array<i32>} : memref<1024xi32, #tpu.memory_space<vmem>>, vector<16xi32>,
    }
    %scan3A_19 = arith.constant 64 : i32
    %mul3A_20 = arith.constant 16 : i32
    %mul3A_21 = arith.muli %mul3A_7, %mul3A_20 : i32
    %add3A_22 = arith.constant 0 : i32
    %add3A_23 = arith.addi %add3A_22, %mul3A_21 : i32
    "tpu.region"() ({
      %run_scoped3A = tpu.sem_alloc : memref<!tpu.dma_semaphore, #tpu.memory_space<semaphore_mem>>
      %dma_start3A = tpu.memref_slice %arg6[%add3A_23] : memref<524288xi32, #tpu.memory_space<hbm>> -> memref<1024xi32, #tpu.memory_space<hbm>>
      %dma_start3A_174 = tpu.memref_slice %arg6[%add3A_23] : memref<524288xi32, #tpu.memory_space<hbm>> -> memref<1024xi32, #tpu.memory_space<hbm>>
      tpu.enqueue_dma source(%arg15 : memref<1024xi32, #tpu.memory_space<vmem>>) target(%dma_start3A_174 : memref<1024xi32, #tpu.memory_space<hbm>>) target_semaphore(%run_scoped3A : memref<!tpu.dma_semaphore, #tpu.memory_space<semaphore_mem>>)
      %dma_wait3A = tpu.memref_slice %arg6[%add3A_23] : memref<524288xi32, #tpu.memory_space<hbm>> -> memref<1024xi32, #tpu.memory_space<hbm>>
      %dma_wait3A_175 = tpu.memref_slice %arg6[%add3A_23] : memref<524288xi32, #tpu.memory_space<hbm>> -> memref<1024xi32, #tpu.memory_space<hbm>>
      tpu.wait_dma2 semaphore(%run_scoped3A : memref<!tpu.dma_semaphore, #tpu.memory_space<semaphore_mem>>) src(%arg15 : memref<1024xi32, #tpu.memory_space<vmem>>) dst(%dma_wait3A_175 : memref<1024xi32, #tpu.memory_space<hbm>>)
      tpu.yield
    }) : () -> ()
    %scan3A_24 = arith.constant 2048 : i32
    %scan3A_25 = arith.constant 0 : i32
    %scan3A_26 = arith.constant 64 : i32
    %scan3A_27 = arith.addi %scan3A_25, %scan3A_26 : i32
    %scan3A_28 = arith.constant 1 : i32
    scf.for %scan3A_174 = %scan3A_25 to %scan3A_27 step %scan3A_28  : i32 {
      %mul3A_175 = arith.constant 16 : i32
      %mul3A_176 = arith.muli %scan3A_174, %mul3A_175 : i32
      %get3A = arith.index_cast %mul3A_176 : i32 to index
      %get3A_177 = tpu.vector_load %arg13[%get3A] {strides = array<i32>} : memref<1024xi32, #tpu.memory_space<vmem>>, vector<16xi32>,
      %add3A_178 = vector.broadcast %scan3A_24 : i32 to vector<16xi32>
      %add3A_179 = arith.addi %get3A_177, %add3A_178 : vector<16xi32>
      %mul3A_180 = arith.constant 16 : i32
      %mul3A_181 = arith.muli %scan3A_174, %mul3A_180 : i32
      %swap3A = arith.index_cast %mul3A_181 : i32 to index
      %swap3A_182 = tpu.vector_load %arg15[%swap3A] {strides = array<i32>} : memref<1024xi32, #tpu.memory_space<vmem>>, vector<16xi32>,
      tpu.vector_store %arg15[%swap3A], %add3A_179 {strides = array<i32>} : memref<1024xi32, #tpu.memory_space<vmem>>, vector<16xi32>,
    }
    %scan3A_29 = arith.constant 64 : i32
    %mul3A_30 = arith.constant 16 : i32
    %mul3A_31 = arith.muli %mul3A_7, %mul3A_30 : i32
    %add3A_32 = arith.constant 32768 : i32
    %add3A_33 = arith.addi %add3A_32, %mul3A_31 : i32
    "tpu.region"() ({
      %run_scoped3A = tpu.sem_alloc : memref<!tpu.dma_semaphore, #tpu.memory_space<semaphore_mem>>
      %dma_start3A = tpu.memref_slice %arg6[%add3A_33] : memref<524288xi32, #tpu.memory_space<hbm>> -> memref<1024xi32, #tpu.memory_space<hbm>>
      %dma_start3A_174 = tpu.memref_slice %arg6[%add3A_33] : memref<524288xi32, #tpu.memory_space<hbm>> -> memref<1024xi32, #tpu.memory_space<hbm>>
      tpu.enqueue_dma source(%arg15 : memref<1024xi32, #tpu.memory_space<vmem>>) target(%dma_start3A_174 : memref<1024xi32, #tpu.memory_space<hbm>>) target_semaphore(%run_scoped3A : memref<!tpu.dma_semaphore, #tpu.memory_space<semaphore_mem>>)
      %dma_wait3A = tpu.memref_slice %arg6[%add3A_33] : memref<524288xi32, #tpu.memory_space<hbm>> -> memref<1024xi32, #tpu.memory_space<hbm>>
      %dma_wait3A_175 = tpu.memref_slice %arg6[%add3A_33] : memref<524288xi32, #tpu.memory_space<hbm>> -> memref<1024xi32, #tpu.memory_space<hbm>>
      tpu.wait_dma2 semaphore(%run_scoped3A : memref<!tpu.dma_semaphore, #tpu.memory_space<semaphore_mem>>) src(%arg15 : memref<1024xi32, #tpu.memory_space<vmem>>) dst(%dma_wait3A_175 : memref<1024xi32, #tpu.memory_space<hbm>>)
      tpu.yield
    }) : () -> ()
    %scan3A_34 = arith.constant 4096 : i32
    %scan3A_35 = arith.constant 0 : i32
    %scan3A_36 = arith.constant 64 : i32
    %scan3A_37 = arith.addi %scan3A_35, %scan3A_36 : i32
    %scan3A_38 = arith.constant 1 : i32
    scf.for %scan3A_174 = %scan3A_35 to %scan3A_37 step %scan3A_38  : i32 {
      %mul3A_175 = arith.constant 16 : i32
      %mul3A_176 = arith.muli %scan3A_174, %mul3A_175 : i32
      %get3A = arith.index_cast %mul3A_176 : i32 to index
      %get3A_177 = tpu.vector_load %arg13[%get3A] {strides = array<i32>} : memref<1024xi32, #tpu.memory_space<vmem>>, vector<16xi32>,
      %add3A_178 = vector.broadcast %scan3A_34 : i32 to vector<16xi32>
      %add3A_179 = arith.addi %get3A_177, %add3A_178 : vector<16xi32>
      %mul3A_180 = arith.constant 16 : i32
      %mul3A_181 = arith.muli %scan3A_174, %mul3A_180 : i32
      %swap3A = arith.index_cast %mul3A_181 : i32 to index
      %swap3A_182 = tpu.vector_load %arg15[%swap3A] {strides = array<i32>} : memref<1024xi32, #tpu.memory_space<vmem>>, vector<16xi32>,
      tpu.vector_store %arg15[%swap3A], %add3A_179 {strides = array<i32>} : memref<1024xi32, #tpu.memory_space<vmem>>, vector<16xi32>,
    }
    %scan3A_39 = arith.constant 64 : i32
    %mul3A_40 = arith.constant 16 : i32
    %mul3A_41 = arith.muli %mul3A_7, %mul3A_40 : i32
    %add3A_42 = arith.constant 65536 : i32
    %add3A_43 = arith.addi %add3A_42, %mul3A_41 : i32
    "tpu.region"() ({
      %run_scoped3A = tpu.sem_alloc : memref<!tpu.dma_semaphore, #tpu.memory_space<semaphore_mem>>
      %dma_start3A = tpu.memref_slice %arg6[%add3A_43] : memref<524288xi32, #tpu.memory_space<hbm>> -> memref<1024xi32, #tpu.memory_space<hbm>>
      %dma_start3A_174 = tpu.memref_slice %arg6[%add3A_43] : memref<524288xi32, #tpu.memory_space<hbm>> -> memref<1024xi32, #tpu.memory_space<hbm>>
      tpu.enqueue_dma source(%arg15 : memref<1024xi32, #tpu.memory_space<vmem>>) target(%dma_start3A_174 : memref<1024xi32, #tpu.memory_space<hbm>>) target_semaphore(%run_scoped3A : memref<!tpu.dma_semaphore, #tpu.memory_space<semaphore_mem>>)
      %dma_wait3A = tpu.memref_slice %arg6[%add3A_43] : memref<524288xi32, #tpu.memory_space<hbm>> -> memref<1024xi32, #tpu.memory_space<hbm>>
      %dma_wait3A_175 = tpu.memref_slice %arg6[%add3A_43] : memref<524288xi32, #tpu.memory_space<hbm>> -> memref<1024xi32, #tpu.memory_space<hbm>>
      tpu.wait_dma2 semaphore(%run_scoped3A : memref<!tpu.dma_semaphore, #tpu.memory_space<semaphore_mem>>) src(%arg15 : memref<1024xi32, #tpu.memory_space<vmem>>) dst(%dma_wait3A_175 : memref<1024xi32, #tpu.memory_space<hbm>>)
      tpu.yield
    }) : () -> ()
    %scan3A_44 = arith.constant 6144 : i32
    %scan3A_45 = arith.constant 0 : i32
    %scan3A_46 = arith.constant 64 : i32
    %scan3A_47 = arith.addi %scan3A_45, %scan3A_46 : i32
    %scan3A_48 = arith.constant 1 : i32
    scf.for %scan3A_174 = %scan3A_45 to %scan3A_47 step %scan3A_48  : i32 {
      %mul3A_175 = arith.constant 16 : i32
      %mul3A_176 = arith.muli %scan3A_174, %mul3A_175 : i32
      %get3A = arith.index_cast %mul3A_176 : i32 to index
      %get3A_177 = tpu.vector_load %arg13[%get3A] {strides = array<i32>} : memref<1024xi32, #tpu.memory_space<vmem>>, vector<16xi32>,
      %add3A_178 = vector.broadcast %scan3A_44 : i32 to vector<16xi32>
      %add3A_179 = arith.addi %get3A_177, %add3A_178 : vector<16xi32>
      %mul3A_180 = arith.constant 16 : i32
      %mul3A_181 = arith.muli %scan3A_174, %mul3A_180 : i32
      %swap3A = arith.index_cast %mul3A_181 : i32 to index
      %swap3A_182 = tpu.vector_load %arg15[%swap3A] {strides = array<i32>} : memref<1024xi32, #tpu.memory_space<vmem>>, vector<16xi32>,
      tpu.vector_store %arg15[%swap3A], %add3A_179 {strides = array<i32>} : memref<1024xi32, #tpu.memory_space<vmem>>, vector<16xi32>,
    }
    %scan3A_49 = arith.constant 64 : i32
    %mul3A_50 = arith.constant 16 : i32
    %mul3A_51 = arith.muli %mul3A_7, %mul3A_50 : i32
    %add3A_52 = arith.constant 98304 : i32
    %add3A_53 = arith.addi %add3A_52, %mul3A_51 : i32
    "tpu.region"() ({
      %run_scoped3A = tpu.sem_alloc : memref<!tpu.dma_semaphore, #tpu.memory_space<semaphore_mem>>
      %dma_start3A = tpu.memref_slice %arg6[%add3A_53] : memref<524288xi32, #tpu.memory_space<hbm>> -> memref<1024xi32, #tpu.memory_space<hbm>>
      %dma_start3A_174 = tpu.memref_slice %arg6[%add3A_53] : memref<524288xi32, #tpu.memory_space<hbm>> -> memref<1024xi32, #tpu.memory_space<hbm>>
      tpu.enqueue_dma source(%arg15 : memref<1024xi32, #tpu.memory_space<vmem>>) target(%dma_start3A_174 : memref<1024xi32, #tpu.memory_space<hbm>>) target_semaphore(%run_scoped3A : memref<!tpu.dma_semaphore, #tpu.memory_space<semaphore_mem>>)
      %dma_wait3A = tpu.memref_slice %arg6[%add3A_53] : memref<524288xi32, #tpu.memory_space<hbm>> -> memref<1024xi32, #tpu.memory_space<hbm>>
      %dma_wait3A_175 = tpu.memref_slice %arg6[%add3A_53] : memref<524288xi32, #tpu.memory_space<hbm>> -> memref<1024xi32, #tpu.memory_space<hbm>>
      tpu.wait_dma2 semaphore(%run_scoped3A : memref<!tpu.dma_semaphore, #tpu.memory_space<semaphore_mem>>) src(%arg15 : memref<1024xi32, #tpu.memory_space<vmem>>) dst(%dma_wait3A_175 : memref<1024xi32, #tpu.memory_space<hbm>>)
      tpu.yield
    }) : () -> ()
    %scan3A_54 = arith.constant 8192 : i32
    %scan3A_55 = arith.constant 0 : i32
    %scan3A_56 = arith.constant 64 : i32
    %scan3A_57 = arith.addi %scan3A_55, %scan3A_56 : i32
    %scan3A_58 = arith.constant 1 : i32
    scf.for %scan3A_174 = %scan3A_55 to %scan3A_57 step %scan3A_58  : i32 {
      %mul3A_175 = arith.constant 16 : i32
      %mul3A_176 = arith.muli %scan3A_174, %mul3A_175 : i32
      %get3A = arith.index_cast %mul3A_176 : i32 to index
      %get3A_177 = tpu.vector_load %arg13[%get3A] {strides = array<i32>} : memref<1024xi32, #tpu.memory_space<vmem>>, vector<16xi32>,
      %add3A_178 = vector.broadcast %scan3A_54 : i32 to vector<16xi32>
      %add3A_179 = arith.addi %get3A_177, %add3A_178 : vector<16xi32>
      %mul3A_180 = arith.constant 16 : i32
      %mul3A_181 = arith.muli %scan3A_174, %mul3A_180 : i32
      %swap3A = arith.index_cast %mul3A_181 : i32 to index
      %swap3A_182 = tpu.vector_load %arg15[%swap3A] {strides = array<i32>} : memref<1024xi32, #tpu.memory_space<vmem>>, vector<16xi32>,
      tpu.vector_store %arg15[%swap3A], %add3A_179 {strides = array<i32>} : memref<1024xi32, #tpu.memory_space<vmem>>, vector<16xi32>,
    }
    %scan3A_59 = arith.constant 64 : i32
    %mul3A_60 = arith.constant 16 : i32
    %mul3A_61 = arith.muli %mul3A_7, %mul3A_60 : i32
    %add3A_62 = arith.constant 131072 : i32
    %add3A_63 = arith.addi %add3A_62, %mul3A_61 : i32
    "tpu.region"() ({
      %run_scoped3A = tpu.sem_alloc : memref<!tpu.dma_semaphore, #tpu.memory_space<semaphore_mem>>
      %dma_start3A = tpu.memref_slice %arg6[%add3A_63] : memref<524288xi32, #tpu.memory_space<hbm>> -> memref<1024xi32, #tpu.memory_space<hbm>>
      %dma_start3A_174 = tpu.memref_slice %arg6[%add3A_63] : memref<524288xi32, #tpu.memory_space<hbm>> -> memref<1024xi32, #tpu.memory_space<hbm>>
      tpu.enqueue_dma source(%arg15 : memref<1024xi32, #tpu.memory_space<vmem>>) target(%dma_start3A_174 : memref<1024xi32, #tpu.memory_space<hbm>>) target_semaphore(%run_scoped3A : memref<!tpu.dma_semaphore, #tpu.memory_space<semaphore_mem>>)
      %dma_wait3A = tpu.memref_slice %arg6[%add3A_63] : memref<524288xi32, #tpu.memory_space<hbm>> -> memref<1024xi32, #tpu.memory_space<hbm>>
      %dma_wait3A_175 = tpu.memref_slice %arg6[%add3A_63] : memref<524288xi32, #tpu.memory_space<hbm>> -> memref<1024xi32, #tpu.memory_space<hbm>>
      tpu.wait_dma2 semaphore(%run_scoped3A : memref<!tpu.dma_semaphore, #tpu.memory_space<semaphore_mem>>) src(%arg15 : memref<1024xi32, #tpu.memory_space<vmem>>) dst(%dma_wait3A_175 : memref<1024xi32, #tpu.memory_space<hbm>>)
      tpu.yield
    }) : () -> ()
    %scan3A_64 = arith.constant 10240 : i32
    %scan3A_65 = arith.constant 0 : i32
    %scan3A_66 = arith.constant 64 : i32
    %scan3A_67 = arith.addi %scan3A_65, %scan3A_66 : i32
    %scan3A_68 = arith.constant 1 : i32
    scf.for %scan3A_174 = %scan3A_65 to %scan3A_67 step %scan3A_68  : i32 {
      %mul3A_175 = arith.constant 16 : i32
      %mul3A_176 = arith.muli %scan3A_174, %mul3A_175 : i32
      %get3A = arith.index_cast %mul3A_176 : i32 to index
      %get3A_177 = tpu.vector_load %arg13[%get3A] {strides = array<i32>} : memref<1024xi32, #tpu.memory_space<vmem>>, vector<16xi32>,
      %add3A_178 = vector.broadcast %scan3A_64 : i32 to vector<16xi32>
      %add3A_179 = arith.addi %get3A_177, %add3A_178 : vector<16xi32>
      %mul3A_180 = arith.constant 16 : i32
      %mul3A_181 = arith.muli %scan3A_174, %mul3A_180 : i32
      %swap3A = arith.index_cast %mul3A_181 : i32 to index
      %swap3A_182 = tpu.vector_load %arg15[%swap3A] {strides = array<i32>} : memref<1024xi32, #tpu.memory_space<vmem>>, vector<16xi32>,
      tpu.vector_store %arg15[%swap3A], %add3A_179 {strides = array<i32>} : memref<1024xi32, #tpu.memory_space<vmem>>, vector<16xi32>,
    }
    %scan3A_69 = arith.constant 64 : i32
    %mul3A_70 = arith.constant 16 : i32
    %mul3A_71 = arith.muli %mul3A_7, %mul3A_70 : i32
    %add3A_72 = arith.constant 163840 : i32
    %add3A_73 = arith.addi %add3A_72, %mul3A_71 : i32
    "tpu.region"() ({
      %run_scoped3A = tpu.sem_alloc : memref<!tpu.dma_semaphore, #tpu.memory_space<semaphore_mem>>
      %dma_start3A = tpu.memref_slice %arg6[%add3A_73] : memref<524288xi32, #tpu.memory_space<hbm>> -> memref<1024xi32, #tpu.memory_space<hbm>>
      %dma_start3A_174 = tpu.memref_slice %arg6[%add3A_73] : memref<524288xi32, #tpu.memory_space<hbm>> -> memref<1024xi32, #tpu.memory_space<hbm>>
      tpu.enqueue_dma source(%arg15 : memref<1024xi32, #tpu.memory_space<vmem>>) target(%dma_start3A_174 : memref<1024xi32, #tpu.memory_space<hbm>>) target_semaphore(%run_scoped3A : memref<!tpu.dma_semaphore, #tpu.memory_space<semaphore_mem>>)
      %dma_wait3A = tpu.memref_slice %arg6[%add3A_73] : memref<524288xi32, #tpu.memory_space<hbm>> -> memref<1024xi32, #tpu.memory_space<hbm>>
      %dma_wait3A_175 = tpu.memref_slice %arg6[%add3A_73] : memref<524288xi32, #tpu.memory_space<hbm>> -> memref<1024xi32, #tpu.memory_space<hbm>>
      tpu.wait_dma2 semaphore(%run_scoped3A : memref<!tpu.dma_semaphore, #tpu.memory_space<semaphore_mem>>) src(%arg15 : memref<1024xi32, #tpu.memory_space<vmem>>) dst(%dma_wait3A_175 : memref<1024xi32, #tpu.memory_space<hbm>>)
      tpu.yield
    }) : () -> ()
    %scan3A_74 = arith.constant 12288 : i32
    %scan3A_75 = arith.constant 0 : i32
    %scan3A_76 = arith.constant 64 : i32
    %scan3A_77 = arith.addi %scan3A_75, %scan3A_76 : i32
    %scan3A_78 = arith.constant 1 : i32
    scf.for %scan3A_174 = %scan3A_75 to %scan3A_77 step %scan3A_78  : i32 {
      %mul3A_175 = arith.constant 16 : i32
      %mul3A_176 = arith.muli %scan3A_174, %mul3A_175 : i32
      %get3A = arith.index_cast %mul3A_176 : i32 to index
      %get3A_177 = tpu.vector_load %arg13[%get3A] {strides = array<i32>} : memref<1024xi32, #tpu.memory_space<vmem>>, vector<16xi32>,
      %add3A_178 = vector.broadcast %scan3A_74 : i32 to vector<16xi32>
      %add3A_179 = arith.addi %get3A_177, %add3A_178 : vector<16xi32>
      %mul3A_180 = arith.constant 16 : i32
      %mul3A_181 = arith.muli %scan3A_174, %mul3A_180 : i32
      %swap3A = arith.index_cast %mul3A_181 : i32 to index
      %swap3A_182 = tpu.vector_load %arg15[%swap3A] {strides = array<i32>} : memref<1024xi32, #tpu.memory_space<vmem>>, vector<16xi32>,
      tpu.vector_store %arg15[%swap3A], %add3A_179 {strides = array<i32>} : memref<1024xi32, #tpu.memory_space<vmem>>, vector<16xi32>,
    }
    %scan3A_79 = arith.constant 64 : i32
    %mul3A_80 = arith.constant 16 : i32
    %mul3A_81 = arith.muli %mul3A_7, %mul3A_80 : i32
    %add3A_82 = arith.constant 196608 : i32
    %add3A_83 = arith.addi %add3A_82, %mul3A_81 : i32
    "tpu.region"() ({
      %run_scoped3A = tpu.sem_alloc : memref<!tpu.dma_semaphore, #tpu.memory_space<semaphore_mem>>
      %dma_start3A = tpu.memref_slice %arg6[%add3A_83] : memref<524288xi32, #tpu.memory_space<hbm>> -> memref<1024xi32, #tpu.memory_space<hbm>>
      %dma_start3A_174 = tpu.memref_slice %arg6[%add3A_83] : memref<524288xi32, #tpu.memory_space<hbm>> -> memref<1024xi32, #tpu.memory_space<hbm>>
      tpu.enqueue_dma source(%arg15 : memref<1024xi32, #tpu.memory_space<vmem>>) target(%dma_start3A_174 : memref<1024xi32, #tpu.memory_space<hbm>>) target_semaphore(%run_scoped3A : memref<!tpu.dma_semaphore, #tpu.memory_space<semaphore_mem>>)
      %dma_wait3A = tpu.memref_slice %arg6[%add3A_83] : memref<524288xi32, #tpu.memory_space<hbm>> -> memref<1024xi32, #tpu.memory_space<hbm>>
      %dma_wait3A_175 = tpu.memref_slice %arg6[%add3A_83] : memref<524288xi32, #tpu.memory_space<hbm>> -> memref<1024xi32, #tpu.memory_space<hbm>>
      tpu.wait_dma2 semaphore(%run_scoped3A : memref<!tpu.dma_semaphore, #tpu.memory_space<semaphore_mem>>) src(%arg15 : memref<1024xi32, #tpu.memory_space<vmem>>) dst(%dma_wait3A_175 : memref<1024xi32, #tpu.memory_space<hbm>>)
      tpu.yield
    }) : () -> ()
    %scan3A_84 = arith.constant 14336 : i32
    %scan3A_85 = arith.constant 0 : i32
    %scan3A_86 = arith.constant 64 : i32
    %scan3A_87 = arith.addi %scan3A_85, %scan3A_86 : i32
    %scan3A_88 = arith.constant 1 : i32
    scf.for %scan3A_174 = %scan3A_85 to %scan3A_87 step %scan3A_88  : i32 {
      %mul3A_175 = arith.constant 16 : i32
      %mul3A_176 = arith.muli %scan3A_174, %mul3A_175 : i32
      %get3A = arith.index_cast %mul3A_176 : i32 to index
      %get3A_177 = tpu.vector_load %arg13[%get3A] {strides = array<i32>} : memref<1024xi32, #tpu.memory_space<vmem>>, vector<16xi32>,
      %add3A_178 = vector.broadcast %scan3A_84 : i32 to vector<16xi32>
      %add3A_179 = arith.addi %get3A_177, %add3A_178 : vector<16xi32>
      %mul3A_180 = arith.constant 16 : i32
      %mul3A_181 = arith.muli %scan3A_174, %mul3A_180 : i32
      %swap3A = arith.index_cast %mul3A_181 : i32 to index
      %swap3A_182 = tpu.vector_load %arg15[%swap3A] {strides = array<i32>} : memref<1024xi32, #tpu.memory_space<vmem>>, vector<16xi32>,
      tpu.vector_store %arg15[%swap3A], %add3A_179 {strides = array<i32>} : memref<1024xi32, #tpu.memory_space<vmem>>, vector<16xi32>,
    }
    %scan3A_89 = arith.constant 64 : i32
    %mul3A_90 = arith.constant 16 : i32
    %mul3A_91 = arith.muli %mul3A_7, %mul3A_90 : i32
    %add3A_92 = arith.constant 229376 : i32
    %add3A_93 = arith.addi %add3A_92, %mul3A_91 : i32
    "tpu.region"() ({
      %run_scoped3A = tpu.sem_alloc : memref<!tpu.dma_semaphore, #tpu.memory_space<semaphore_mem>>
      %dma_start3A = tpu.memref_slice %arg6[%add3A_93] : memref<524288xi32, #tpu.memory_space<hbm>> -> memref<1024xi32, #tpu.memory_space<hbm>>
      %dma_start3A_174 = tpu.memref_slice %arg6[%add3A_93] : memref<524288xi32, #tpu.memory_space<hbm>> -> memref<1024xi32, #tpu.memory_space<hbm>>
      tpu.enqueue_dma source(%arg15 : memref<1024xi32, #tpu.memory_space<vmem>>) target(%dma_start3A_174 : memref<1024xi32, #tpu.memory_space<hbm>>) target_semaphore(%run_scoped3A : memref<!tpu.dma_semaphore, #tpu.memory_space<semaphore_mem>>)
      %dma_wait3A = tpu.memref_slice %arg6[%add3A_93] : memref<524288xi32, #tpu.memory_space<hbm>> -> memref<1024xi32, #tpu.memory_space<hbm>>
      %dma_wait3A_175 = tpu.memref_slice %arg6[%add3A_93] : memref<524288xi32, #tpu.memory_space<hbm>> -> memref<1024xi32, #tpu.memory_space<hbm>>
      tpu.wait_dma2 semaphore(%run_scoped3A : memref<!tpu.dma_semaphore, #tpu.memory_space<semaphore_mem>>) src(%arg15 : memref<1024xi32, #tpu.memory_space<vmem>>) dst(%dma_wait3A_175 : memref<1024xi32, #tpu.memory_space<hbm>>)
      tpu.yield
    }) : () -> ()
    %scan3A_94 = arith.constant 0 : i32
    %scan3A_95 = arith.constant 0 : i32
    %scan3A_96 = arith.constant 64 : i32
    %scan3A_97 = arith.addi %scan3A_95, %scan3A_96 : i32
    %scan3A_98 = arith.constant 1 : i32
    scf.for %scan3A_174 = %scan3A_95 to %scan3A_97 step %scan3A_98  : i32 {
      %mul3A_175 = arith.constant 16 : i32
      %mul3A_176 = arith.muli %scan3A_174, %mul3A_175 : i32
      %get3A = arith.index_cast %mul3A_176 : i32 to index
      %get3A_177 = tpu.vector_load %arg14[%get3A] {strides = array<i32>} : memref<1024xi32, #tpu.memory_space<vmem>>, vector<16xi32>,
      %add3A_178 = vector.broadcast %scan3A_94 : i32 to vector<16xi32>
      %add3A_179 = arith.addi %get3A_177, %add3A_178 : vector<16xi32>
      %mul3A_180 = arith.constant 16 : i32
      %mul3A_181 = arith.muli %scan3A_174, %mul3A_180 : i32
      %swap3A = arith.index_cast %mul3A_181 : i32 to index
      %swap3A_182 = tpu.vector_load %arg15[%swap3A] {strides = array<i32>} : memref<1024xi32, #tpu.memory_space<vmem>>, vector<16xi32>,
      tpu.vector_store %arg15[%swap3A], %add3A_179 {strides = array<i32>} : memref<1024xi32, #tpu.memory_space<vmem>>, vector<16xi32>,
    }
    %scan3A_99 = arith.constant 64 : i32
    %mul3A_100 = arith.constant 16 : i32
    %mul3A_101 = arith.muli %mul3A_7, %mul3A_100 : i32
    %add3A_102 = arith.constant 262144 : i32
    %add3A_103 = arith.addi %add3A_102, %mul3A_101 : i32
    "tpu.region"() ({
      %run_scoped3A = tpu.sem_alloc : memref<!tpu.dma_semaphore, #tpu.memory_space<semaphore_mem>>
      %dma_start3A = tpu.memref_slice %arg6[%add3A_103] : memref<524288xi32, #tpu.memory_space<hbm>> -> memref<1024xi32, #tpu.memory_space<hbm>>
      %dma_start3A_174 = tpu.memref_slice %arg6[%add3A_103] : memref<524288xi32, #tpu.memory_space<hbm>> -> memref<1024xi32, #tpu.memory_space<hbm>>
      tpu.enqueue_dma source(%arg15 : memref<1024xi32, #tpu.memory_space<vmem>>) target(%dma_start3A_174 : memref<1024xi32, #tpu.memory_space<hbm>>) target_semaphore(%run_scoped3A : memref<!tpu.dma_semaphore, #tpu.memory_space<semaphore_mem>>)
      %dma_wait3A = tpu.memref_slice %arg6[%add3A_103] : memref<524288xi32, #tpu.memory_space<hbm>> -> memref<1024xi32, #tpu.memory_space<hbm>>
      %dma_wait3A_175 = tpu.memref_slice %arg6[%add3A_103] : memref<524288xi32, #tpu.memory_space<hbm>> -> memref<1024xi32, #tpu.memory_space<hbm>>
      tpu.wait_dma2 semaphore(%run_scoped3A : memref<!tpu.dma_semaphore, #tpu.memory_space<semaphore_mem>>) src(%arg15 : memref<1024xi32, #tpu.memory_space<vmem>>) dst(%dma_wait3A_175 : memref<1024xi32, #tpu.memory_space<hbm>>)
      tpu.yield
    }) : () -> ()
    %scan3A_104 = arith.constant 2048 : i32
    %scan3A_105 = arith.constant 0 : i32
    %scan3A_106 = arith.constant 64 : i32
    %scan3A_107 = arith.addi %scan3A_105, %scan3A_106 : i32
    %scan3A_108 = arith.constant 1 : i32
    scf.for %scan3A_174 = %scan3A_105 to %scan3A_107 step %scan3A_108  : i32 {
      %mul3A_175 = arith.constant 16 : i32
      %mul3A_176 = arith.muli %scan3A_174, %mul3A_175 : i32
      %get3A = arith.index_cast %mul3A_176 : i32 to index
      %get3A_177 = tpu.vector_load %arg14[%get3A] {strides = array<i32>} : memref<1024xi32, #tpu.memory_space<vmem>>, vector<16xi32>,
      %add3A_178 = vector.broadcast %scan3A_104 : i32 to vector<16xi32>
      %add3A_179 = arith.addi %get3A_177, %add3A_178 : vector<16xi32>
      %mul3A_180 = arith.constant 16 : i32
      %mul3A_181 = arith.muli %scan3A_174, %mul3A_180 : i32
      %swap3A = arith.index_cast %mul3A_181 : i32 to index
      %swap3A_182 = tpu.vector_load %arg15[%swap3A] {strides = array<i32>} : memref<1024xi32, #tpu.memory_space<vmem>>, vector<16xi32>,
      tpu.vector_store %arg15[%swap3A], %add3A_179 {strides = array<i32>} : memref<1024xi32, #tpu.memory_space<vmem>>, vector<16xi32>,
    }
    %scan3A_109 = arith.constant 64 : i32
    %mul3A_110 = arith.constant 16 : i32
    %mul3A_111 = arith.muli %mul3A_7, %mul3A_110 : i32
    %add3A_112 = arith.constant 294912 : i32
    %add3A_113 = arith.addi %add3A_112, %mul3A_111 : i32
    "tpu.region"() ({
      %run_scoped3A = tpu.sem_alloc : memref<!tpu.dma_semaphore, #tpu.memory_space<semaphore_mem>>
      %dma_start3A = tpu.memref_slice %arg6[%add3A_113] : memref<524288xi32, #tpu.memory_space<hbm>> -> memref<1024xi32, #tpu.memory_space<hbm>>
      %dma_start3A_174 = tpu.memref_slice %arg6[%add3A_113] : memref<524288xi32, #tpu.memory_space<hbm>> -> memref<1024xi32, #tpu.memory_space<hbm>>
      tpu.enqueue_dma source(%arg15 : memref<1024xi32, #tpu.memory_space<vmem>>) target(%dma_start3A_174 : memref<1024xi32, #tpu.memory_space<hbm>>) target_semaphore(%run_scoped3A : memref<!tpu.dma_semaphore, #tpu.memory_space<semaphore_mem>>)
      %dma_wait3A = tpu.memref_slice %arg6[%add3A_113] : memref<524288xi32, #tpu.memory_space<hbm>> -> memref<1024xi32, #tpu.memory_space<hbm>>
      %dma_wait3A_175 = tpu.memref_slice %arg6[%add3A_113] : memref<524288xi32, #tpu.memory_space<hbm>> -> memref<1024xi32, #tpu.memory_space<hbm>>
      tpu.wait_dma2 semaphore(%run_scoped3A : memref<!tpu.dma_semaphore, #tpu.memory_space<semaphore_mem>>) src(%arg15 : memref<1024xi32, #tpu.memory_space<vmem>>) dst(%dma_wait3A_175 : memref<1024xi32, #tpu.memory_space<hbm>>)
      tpu.yield
    }) : () -> ()
    %scan3A_114 = arith.constant 4096 : i32
    %scan3A_115 = arith.constant 0 : i32
    %scan3A_116 = arith.constant 64 : i32
    %scan3A_117 = arith.addi %scan3A_115, %scan3A_116 : i32
    %scan3A_118 = arith.constant 1 : i32
    scf.for %scan3A_174 = %scan3A_115 to %scan3A_117 step %scan3A_118  : i32 {
      %mul3A_175 = arith.constant 16 : i32
      %mul3A_176 = arith.muli %scan3A_174, %mul3A_175 : i32
      %get3A = arith.index_cast %mul3A_176 : i32 to index
      %get3A_177 = tpu.vector_load %arg14[%get3A] {strides = array<i32>} : memref<1024xi32, #tpu.memory_space<vmem>>, vector<16xi32>,
      %add3A_178 = vector.broadcast %scan3A_114 : i32 to vector<16xi32>
      %add3A_179 = arith.addi %get3A_177, %add3A_178 : vector<16xi32>
      %mul3A_180 = arith.constant 16 : i32
      %mul3A_181 = arith.muli %scan3A_174, %mul3A_180 : i32
      %swap3A = arith.index_cast %mul3A_181 : i32 to index
      %swap3A_182 = tpu.vector_load %arg15[%swap3A] {strides = array<i32>} : memref<1024xi32, #tpu.memory_space<vmem>>, vector<16xi32>,
      tpu.vector_store %arg15[%swap3A], %add3A_179 {strides = array<i32>} : memref<1024xi32, #tpu.memory_space<vmem>>, vector<16xi32>,
    }
    %scan3A_119 = arith.constant 64 : i32
    %mul3A_120 = arith.constant 16 : i32
    %mul3A_121 = arith.muli %mul3A_7, %mul3A_120 : i32
    %add3A_122 = arith.constant 327680 : i32
    %add3A_123 = arith.addi %add3A_122, %mul3A_121 : i32
    "tpu.region"() ({
      %run_scoped3A = tpu.sem_alloc : memref<!tpu.dma_semaphore, #tpu.memory_space<semaphore_mem>>
      %dma_start3A = tpu.memref_slice %arg6[%add3A_123] : memref<524288xi32, #tpu.memory_space<hbm>> -> memref<1024xi32, #tpu.memory_space<hbm>>
      %dma_start3A_174 = tpu.memref_slice %arg6[%add3A_123] : memref<524288xi32, #tpu.memory_space<hbm>> -> memref<1024xi32, #tpu.memory_space<hbm>>
      tpu.enqueue_dma source(%arg15 : memref<1024xi32, #tpu.memory_space<vmem>>) target(%dma_start3A_174 : memref<1024xi32, #tpu.memory_space<hbm>>) target_semaphore(%run_scoped3A : memref<!tpu.dma_semaphore, #tpu.memory_space<semaphore_mem>>)
      %dma_wait3A = tpu.memref_slice %arg6[%add3A_123] : memref<524288xi32, #tpu.memory_space<hbm>> -> memref<1024xi32, #tpu.memory_space<hbm>>
      %dma_wait3A_175 = tpu.memref_slice %arg6[%add3A_123] : memref<524288xi32, #tpu.memory_space<hbm>> -> memref<1024xi32, #tpu.memory_space<hbm>>
      tpu.wait_dma2 semaphore(%run_scoped3A : memref<!tpu.dma_semaphore, #tpu.memory_space<semaphore_mem>>) src(%arg15 : memref<1024xi32, #tpu.memory_space<vmem>>) dst(%dma_wait3A_175 : memref<1024xi32, #tpu.memory_space<hbm>>)
      tpu.yield
    }) : () -> ()
    %scan3A_124 = arith.constant 6144 : i32
    %scan3A_125 = arith.constant 0 : i32
    %scan3A_126 = arith.constant 64 : i32
    %scan3A_127 = arith.addi %scan3A_125, %scan3A_126 : i32
    %scan3A_128 = arith.constant 1 : i32
    scf.for %scan3A_174 = %scan3A_125 to %scan3A_127 step %scan3A_128  : i32 {
      %mul3A_175 = arith.constant 16 : i32
      %mul3A_176 = arith.muli %scan3A_174, %mul3A_175 : i32
      %get3A = arith.index_cast %mul3A_176 : i32 to index
      %get3A_177 = tpu.vector_load %arg14[%get3A] {strides = array<i32>} : memref<1024xi32, #tpu.memory_space<vmem>>, vector<16xi32>,
      %add3A_178 = vector.broadcast %scan3A_124 : i32 to vector<16xi32>
      %add3A_179 = arith.addi %get3A_177, %add3A_178 : vector<16xi32>
      %mul3A_180 = arith.constant 16 : i32
      %mul3A_181 = arith.muli %scan3A_174, %mul3A_180 : i32
      %swap3A = arith.index_cast %mul3A_181 : i32 to index
      %swap3A_182 = tpu.vector_load %arg15[%swap3A] {strides = array<i32>} : memref<1024xi32, #tpu.memory_space<vmem>>, vector<16xi32>,
      tpu.vector_store %arg15[%swap3A], %add3A_179 {strides = array<i32>} : memref<1024xi32, #tpu.memory_space<vmem>>, vector<16xi32>,
    }
    %scan3A_129 = arith.constant 64 : i32
    %mul3A_130 = arith.constant 16 : i32
    %mul3A_131 = arith.muli %mul3A_7, %mul3A_130 : i32
    %add3A_132 = arith.constant 360448 : i32
    %add3A_133 = arith.addi %add3A_132, %mul3A_131 : i32
    "tpu.region"() ({
      %run_scoped3A = tpu.sem_alloc : memref<!tpu.dma_semaphore, #tpu.memory_space<semaphore_mem>>
      %dma_start3A = tpu.memref_slice %arg6[%add3A_133] : memref<524288xi32, #tpu.memory_space<hbm>> -> memref<1024xi32, #tpu.memory_space<hbm>>
      %dma_start3A_174 = tpu.memref_slice %arg6[%add3A_133] : memref<524288xi32, #tpu.memory_space<hbm>> -> memref<1024xi32, #tpu.memory_space<hbm>>
      tpu.enqueue_dma source(%arg15 : memref<1024xi32, #tpu.memory_space<vmem>>) target(%dma_start3A_174 : memref<1024xi32, #tpu.memory_space<hbm>>) target_semaphore(%run_scoped3A : memref<!tpu.dma_semaphore, #tpu.memory_space<semaphore_mem>>)
      %dma_wait3A = tpu.memref_slice %arg6[%add3A_133] : memref<524288xi32, #tpu.memory_space<hbm>> -> memref<1024xi32, #tpu.memory_space<hbm>>
      %dma_wait3A_175 = tpu.memref_slice %arg6[%add3A_133] : memref<524288xi32, #tpu.memory_space<hbm>> -> memref<1024xi32, #tpu.memory_space<hbm>>
      tpu.wait_dma2 semaphore(%run_scoped3A : memref<!tpu.dma_semaphore, #tpu.memory_space<semaphore_mem>>) src(%arg15 : memref<1024xi32, #tpu.memory_space<vmem>>) dst(%dma_wait3A_175 : memref<1024xi32, #tpu.memory_space<hbm>>)
      tpu.yield
    }) : () -> ()
    %scan3A_134 = arith.constant 8192 : i32
    %scan3A_135 = arith.constant 0 : i32
    %scan3A_136 = arith.constant 64 : i32
    %scan3A_137 = arith.addi %scan3A_135, %scan3A_136 : i32
    %scan3A_138 = arith.constant 1 : i32
    scf.for %scan3A_174 = %scan3A_135 to %scan3A_137 step %scan3A_138  : i32 {
      %mul3A_175 = arith.constant 16 : i32
      %mul3A_176 = arith.muli %scan3A_174, %mul3A_175 : i32
      %get3A = arith.index_cast %mul3A_176 : i32 to index
      %get3A_177 = tpu.vector_load %arg14[%get3A] {strides = array<i32>} : memref<1024xi32, #tpu.memory_space<vmem>>, vector<16xi32>,
      %add3A_178 = vector.broadcast %scan3A_134 : i32 to vector<16xi32>
      %add3A_179 = arith.addi %get3A_177, %add3A_178 : vector<16xi32>
      %mul3A_180 = arith.constant 16 : i32
      %mul3A_181 = arith.muli %scan3A_174, %mul3A_180 : i32
      %swap3A = arith.index_cast %mul3A_181 : i32 to index
      %swap3A_182 = tpu.vector_load %arg15[%swap3A] {strides = array<i32>} : memref<1024xi32, #tpu.memory_space<vmem>>, vector<16xi32>,
      tpu.vector_store %arg15[%swap3A], %add3A_179 {strides = array<i32>} : memref<1024xi32, #tpu.memory_space<vmem>>, vector<16xi32>,
    }
    %scan3A_139 = arith.constant 64 : i32
    %mul3A_140 = arith.constant 16 : i32
    %mul3A_141 = arith.muli %mul3A_7, %mul3A_140 : i32
    %add3A_142 = arith.constant 393216 : i32
    %add3A_143 = arith.addi %add3A_142, %mul3A_141 : i32
    "tpu.region"() ({
      %run_scoped3A = tpu.sem_alloc : memref<!tpu.dma_semaphore, #tpu.memory_space<semaphore_mem>>
      %dma_start3A = tpu.memref_slice %arg6[%add3A_143] : memref<524288xi32, #tpu.memory_space<hbm>> -> memref<1024xi32, #tpu.memory_space<hbm>>
      %dma_start3A_174 = tpu.memref_slice %arg6[%add3A_143] : memref<524288xi32, #tpu.memory_space<hbm>> -> memref<1024xi32, #tpu.memory_space<hbm>>
      tpu.enqueue_dma source(%arg15 : memref<1024xi32, #tpu.memory_space<vmem>>) target(%dma_start3A_174 : memref<1024xi32, #tpu.memory_space<hbm>>) target_semaphore(%run_scoped3A : memref<!tpu.dma_semaphore, #tpu.memory_space<semaphore_mem>>)
      %dma_wait3A = tpu.memref_slice %arg6[%add3A_143] : memref<524288xi32, #tpu.memory_space<hbm>> -> memref<1024xi32, #tpu.memory_space<hbm>>
      %dma_wait3A_175 = tpu.memref_slice %arg6[%add3A_143] : memref<524288xi32, #tpu.memory_space<hbm>> -> memref<1024xi32, #tpu.memory_space<hbm>>
      tpu.wait_dma2 semaphore(%run_scoped3A : memref<!tpu.dma_semaphore, #tpu.memory_space<semaphore_mem>>) src(%arg15 : memref<1024xi32, #tpu.memory_space<vmem>>) dst(%dma_wait3A_175 : memref<1024xi32, #tpu.memory_space<hbm>>)
      tpu.yield
    }) : () -> ()
    %scan3A_144 = arith.constant 10240 : i32
    %scan3A_145 = arith.constant 0 : i32
    %scan3A_146 = arith.constant 64 : i32
    %scan3A_147 = arith.addi %scan3A_145, %scan3A_146 : i32
    %scan3A_148 = arith.constant 1 : i32
    scf.for %scan3A_174 = %scan3A_145 to %scan3A_147 step %scan3A_148  : i32 {
      %mul3A_175 = arith.constant 16 : i32
      %mul3A_176 = arith.muli %scan3A_174, %mul3A_175 : i32
      %get3A = arith.index_cast %mul3A_176 : i32 to index
      %get3A_177 = tpu.vector_load %arg14[%get3A] {strides = array<i32>} : memref<1024xi32, #tpu.memory_space<vmem>>, vector<16xi32>,
      %add3A_178 = vector.broadcast %scan3A_144 : i32 to vector<16xi32>
      %add3A_179 = arith.addi %get3A_177, %add3A_178 : vector<16xi32>
      %mul3A_180 = arith.constant 16 : i32
      %mul3A_181 = arith.muli %scan3A_174, %mul3A_180 : i32
      %swap3A = arith.index_cast %mul3A_181 : i32 to index
      %swap3A_182 = tpu.vector_load %arg15[%swap3A] {strides = array<i32>} : memref<1024xi32, #tpu.memory_space<vmem>>, vector<16xi32>,
      tpu.vector_store %arg15[%swap3A], %add3A_179 {strides = array<i32>} : memref<1024xi32, #tpu.memory_space<vmem>>, vector<16xi32>,
    }
    %scan3A_149 = arith.constant 64 : i32
    %mul3A_150 = arith.constant 16 : i32
    %mul3A_151 = arith.muli %mul3A_7, %mul3A_150 : i32
    %add3A_152 = arith.constant 425984 : i32
    %add3A_153 = arith.addi %add3A_152, %mul3A_151 : i32
    "tpu.region"() ({
      %run_scoped3A = tpu.sem_alloc : memref<!tpu.dma_semaphore, #tpu.memory_space<semaphore_mem>>
      %dma_start3A = tpu.memref_slice %arg6[%add3A_153] : memref<524288xi32, #tpu.memory_space<hbm>> -> memref<1024xi32, #tpu.memory_space<hbm>>
      %dma_start3A_174 = tpu.memref_slice %arg6[%add3A_153] : memref<524288xi32, #tpu.memory_space<hbm>> -> memref<1024xi32, #tpu.memory_space<hbm>>
      tpu.enqueue_dma source(%arg15 : memref<1024xi32, #tpu.memory_space<vmem>>) target(%dma_start3A_174 : memref<1024xi32, #tpu.memory_space<hbm>>) target_semaphore(%run_scoped3A : memref<!tpu.dma_semaphore, #tpu.memory_space<semaphore_mem>>)
      %dma_wait3A = tpu.memref_slice %arg6[%add3A_153] : memref<524288xi32, #tpu.memory_space<hbm>> -> memref<1024xi32, #tpu.memory_space<hbm>>
      %dma_wait3A_175 = tpu.memref_slice %arg6[%add3A_153] : memref<524288xi32, #tpu.memory_space<hbm>> -> memref<1024xi32, #tpu.memory_space<hbm>>
      tpu.wait_dma2 semaphore(%run_scoped3A : memref<!tpu.dma_semaphore, #tpu.memory_space<semaphore_mem>>) src(%arg15 : memref<1024xi32, #tpu.memory_space<vmem>>) dst(%dma_wait3A_175 : memref<1024xi32, #tpu.memory_space<hbm>>)
      tpu.yield
    }) : () -> ()
    %scan3A_154 = arith.constant 12288 : i32
    %scan3A_155 = arith.constant 0 : i32
    %scan3A_156 = arith.constant 64 : i32
    %scan3A_157 = arith.addi %scan3A_155, %scan3A_156 : i32
    %scan3A_158 = arith.constant 1 : i32
    scf.for %scan3A_174 = %scan3A_155 to %scan3A_157 step %scan3A_158  : i32 {
      %mul3A_175 = arith.constant 16 : i32
      %mul3A_176 = arith.muli %scan3A_174, %mul3A_175 : i32
      %get3A = arith.index_cast %mul3A_176 : i32 to index
      %get3A_177 = tpu.vector_load %arg14[%get3A] {strides = array<i32>} : memref<1024xi32, #tpu.memory_space<vmem>>, vector<16xi32>,
      %add3A_178 = vector.broadcast %scan3A_154 : i32 to vector<16xi32>
      %add3A_179 = arith.addi %get3A_177, %add3A_178 : vector<16xi32>
      %mul3A_180 = arith.constant 16 : i32
      %mul3A_181 = arith.muli %scan3A_174, %mul3A_180 : i32
      %swap3A = arith.index_cast %mul3A_181 : i32 to index
      %swap3A_182 = tpu.vector_load %arg15[%swap3A] {strides = array<i32>} : memref<1024xi32, #tpu.memory_space<vmem>>, vector<16xi32>,
      tpu.vector_store %arg15[%swap3A], %add3A_179 {strides = array<i32>} : memref<1024xi32, #tpu.memory_space<vmem>>, vector<16xi32>,
    }
    %scan3A_159 = arith.constant 64 : i32
    %mul3A_160 = arith.constant 16 : i32
    %mul3A_161 = arith.muli %mul3A_7, %mul3A_160 : i32
    %add3A_162 = arith.constant 458752 : i32
    %add3A_163 = arith.addi %add3A_162, %mul3A_161 : i32
    "tpu.region"() ({
      %run_scoped3A = tpu.sem_alloc : memref<!tpu.dma_semaphore, #tpu.memory_space<semaphore_mem>>
      %dma_start3A = tpu.memref_slice %arg6[%add3A_163] : memref<524288xi32, #tpu.memory_space<hbm>> -> memref<1024xi32, #tpu.memory_space<hbm>>
      %dma_start3A_174 = tpu.memref_slice %arg6[%add3A_163] : memref<524288xi32, #tpu.memory_space<hbm>> -> memref<1024xi32, #tpu.memory_space<hbm>>
      tpu.enqueue_dma source(%arg15 : memref<1024xi32, #tpu.memory_space<vmem>>) target(%dma_start3A_174 : memref<1024xi32, #tpu.memory_space<hbm>>) target_semaphore(%run_scoped3A : memref<!tpu.dma_semaphore, #tpu.memory_space<semaphore_mem>>)
      %dma_wait3A = tpu.memref_slice %arg6[%add3A_163] : memref<524288xi32, #tpu.memory_space<hbm>> -> memref<1024xi32, #tpu.memory_space<hbm>>
      %dma_wait3A_175 = tpu.memref_slice %arg6[%add3A_163] : memref<524288xi32, #tpu.memory_space<hbm>> -> memref<1024xi32, #tpu.memory_space<hbm>>
      tpu.wait_dma2 semaphore(%run_scoped3A : memref<!tpu.dma_semaphore, #tpu.memory_space<semaphore_mem>>) src(%arg15 : memref<1024xi32, #tpu.memory_space<vmem>>) dst(%dma_wait3A_175 : memref<1024xi32, #tpu.memory_space<hbm>>)
      tpu.yield
    }) : () -> ()
    %scan3A_164 = arith.constant 14336 : i32
    %scan3A_165 = arith.constant 0 : i32
    %scan3A_166 = arith.constant 64 : i32
    %scan3A_167 = arith.addi %scan3A_165, %scan3A_166 : i32
    %scan3A_168 = arith.constant 1 : i32
    scf.for %scan3A_174 = %scan3A_165 to %scan3A_167 step %scan3A_168  : i32 {
      %mul3A_175 = arith.constant 16 : i32
      %mul3A_176 = arith.muli %scan3A_174, %mul3A_175 : i32
      %get3A = arith.index_cast %mul3A_176 : i32 to index
      %get3A_177 = tpu.vector_load %arg14[%get3A] {strides = array<i32>} : memref<1024xi32, #tpu.memory_space<vmem>>, vector<16xi32>,
      %add3A_178 = vector.broadcast %scan3A_164 : i32 to vector<16xi32>
      %add3A_179 = arith.addi %get3A_177, %add3A_178 : vector<16xi32>
      %mul3A_180 = arith.constant 16 : i32
      %mul3A_181 = arith.muli %scan3A_174, %mul3A_180 : i32
      %swap3A = arith.index_cast %mul3A_181 : i32 to index
      %swap3A_182 = tpu.vector_load %arg15[%swap3A] {strides = array<i32>} : memref<1024xi32, #tpu.memory_space<vmem>>, vector<16xi32>,
      tpu.vector_store %arg15[%swap3A], %add3A_179 {strides = array<i32>} : memref<1024xi32, #tpu.memory_space<vmem>>, vector<16xi32>,
    }
    %scan3A_169 = arith.constant 64 : i32
    %mul3A_170 = arith.constant 16 : i32
    %mul3A_171 = arith.muli %mul3A_7, %mul3A_170 : i32
    %add3A_172 = arith.constant 491520 : i32
    %add3A_173 = arith.addi %add3A_172, %mul3A_171 : i32
    "tpu.region"() ({
      %run_scoped3A = tpu.sem_alloc : memref<!tpu.dma_semaphore, #tpu.memory_space<semaphore_mem>>
      %dma_start3A = tpu.memref_slice %arg6[%add3A_173] : memref<524288xi32, #tpu.memory_space<hbm>> -> memref<1024xi32, #tpu.memory_space<hbm>>
      %dma_start3A_174 = tpu.memref_slice %arg6[%add3A_173] : memref<524288xi32, #tpu.memory_space<hbm>> -> memref<1024xi32, #tpu.memory_space<hbm>>
      tpu.enqueue_dma source(%arg15 : memref<1024xi32, #tpu.memory_space<vmem>>) target(%dma_start3A_174 : memref<1024xi32, #tpu.memory_space<hbm>>) target_semaphore(%run_scoped3A : memref<!tpu.dma_semaphore, #tpu.memory_space<semaphore_mem>>)
      %dma_wait3A = tpu.memref_slice %arg6[%add3A_173] : memref<524288xi32, #tpu.memory_space<hbm>> -> memref<1024xi32, #tpu.memory_space<hbm>>
      %dma_wait3A_175 = tpu.memref_slice %arg6[%add3A_173] : memref<524288xi32, #tpu.memory_space<hbm>> -> memref<1024xi32, #tpu.memory_space<hbm>>
      tpu.wait_dma2 semaphore(%run_scoped3A : memref<!tpu.dma_semaphore, #tpu.memory_space<semaphore_mem>>) src(%arg15 : memref<1024xi32, #tpu.memory_space<vmem>>) dst(%dma_wait3A_175 : memref<1024xi32, #tpu.memory_space<hbm>>)
      tpu.yield
    }) : () -> ()
    return
  }
}

</mosaic_0001>

<sc_bundles>
// kernel: kernel.3.cloned.1.call-start
scs
__scs_entry_jumppad:
0x0: {  	(pc) =	sbr.rel $0x88, $3  }
0x1: {  	(tag) =	ssettag $0x0;
	lr =	simm.s32 $0x1  }
0x2: {  	[smem:$0x3F9C] =	sst lr;
	_ =	strace $0xD0000000  }
0x3: {  	_ = 	snop  }
0x4: {  	_ = 	snop  }
0x5: {  	_ = 	snop  }
0x6: {  	_ = 	snop  }
0x7: {  	_ = 	snop  }
__scs_overlays_trampoline_lowered:
0x8: {  	[smem:$0x3FAB] =	sst s0  }
0x9: {  	[smem:$0x3FAC] =	sst s1  }
0xa: {  	[smem:$0x3FAD] =	sst s2  }
0xb: {  	[smem:$0x3FAE] =	sst s3  }
0xc: {  	[smem:$0x3FAF] =	sst s4  }
0xd: {  	[smem:$0x3FB0] =	sst s5  }
0xe: {  	[smem:$0x3FB1] =	sst s6  }
0xf: {  	[smem:$0x3FB2] =	sst s7  }
0x10: {  	[smem:$0x3FB3] =	sst s8  }
0x11: {  	[smem:$0x3FB4] =	sst s9;
	s0 =	simm.s32 @!p0 $0x0  }
0x12: {  	s1 =	sld [smem:$0x3F9A];
	s0 =	simm.s32 @p0 $0x1  }
0x13: {  	[smem:$0x3FB5] =	sst s0;
	s0 =	simm.s32 @!p1 $0x0  }
0x14: {  	s2 =	sld [smem:$0x3F99];
	s0 =	simm.s32 @p1 $0x1  }
0x15: {  	[smem:$0x3FB6] =	sst s0;
	s0 =	simm.s32 @!p2 $0x0  }
0x16: {  	s3 =	sld [smem:$0x3FDB];
	s0 =	simm.s32 @p2 $0x1  }
0x17: {  	s4 =	simm.s32 $0x1BF5;
	[smem:$0x3FB8] =	sst s0  }
0x18: {  	s0 =	sld [smem:$0x3F9B];
	_ =	swait.ge [sflag:s4], $0x0  }
0x19: {  	s7 =	sld [smem:$0x3F9C]  }
0x1a: {  	s8 =	sadd.s32 $0xFFFFE003, lr  }
0x1b: {  	s9 =	sadd.s32 $0xFFFFFEF7, lr;
	s5 =	simm.s32 $0xFFFFFFFF;
	p2 =	slt.u32 s8, $0xFFFFF086  }
0x1c: {  	p1 =	slt.u32 s9, $0xF7A;
	s5 =	simm.s32 @!p2 $0x0  }
0x1d: {  	s5 =	simm.s32 @p1 $0x1;
	p0 =	seq.s32 s7, s2  }
0x1e: {  	s7 =	smul.u32 @!p0 $0xF7A, s2;
	p2 =	seq.s32 @!p0 s5, $0x0  }
0x1f: {  	s9 =	smul.u32 $0xF7A, s1;
	s8 =	simm.s32 @!p0 $0x1BF5;
	p2 =	por !p2, p0  }
0x20: {  	[sflag:s8] =	ssyncset.s32 @!p0 $0xFFFFF086;
	s6 =	sadd.s32 @!p0 s3, s7;
	s7 =	simm.s32 @!p0 $0x108  }
0x21: {  	s3 =	sadd.s32 s3, s9;
	s6 =	sadd.s32 @!p0 $0x88, s6;
	s7 =	simm.s32 @p2 $0x1082  }
0x22: {  	[simem:s7], [sflag:s8] =	dma.local @!p0 [hbm:s6], $0xF7A  }
0x23: {  	s9 =	sor.u32 $0xD0000000, s2;
	s6 =	simm.s32 $0x108;
	_ =	swait.ge @!p0 [sflag:s8], $0x0  }
0x24: {  	s3 =	sadd.s32 $0x88, s3;
	s6 =	simm.s32 @!p1 $0x1082;
	[sflag:s4] =	ssyncset.s32 $0xFFFFF086  }
0x25: {  	[simem:s6], [sflag:s4] =	dma.local [hbm:s3], $0xF7A  }
0x26: {  	[smem:$0x3F9C] =	sst s1;
	(tag) =	ssettag s2;
	_ =	strace s9  }
0x27: {  	s1 =	sld [smem:$0x3FAC]  }
0x28: {  	s2 =	sld [smem:$0x3FAD]  }
0x29: {  	s4 =	sld [smem:$0x3FAF]  }
0x2a: {  	p0 =	seq.s32 s5, $0x0;
	s5 =	sld [smem:$0x3FB0]  }
0x2b: {  	s6 =	sld [smem:$0x3FB1]  }
0x2c: {  	s7 =	sld [smem:$0x3FB2]  }
0x2d: {  	s3 =	simm.s32 $0x108;
	s8 =	sld [smem:$0x3FB3]  }
0x2e: {  	s3 =	simm.s32 @!p0 $0x1082;
	s9 =	sld [smem:$0x3FB4]  }
0x2f: {  	lr =	sadd.s32 s0, s3;
	s0 =	sld [smem:$0x3FAB]  }
0x30: {  	s3 =	sld [smem:$0x3FAE]  }
0x31: {  	[smem:$0x3FB7] =	sst s10  }
0x32: {  	s10 =	sld [smem:$0x3FB5];
	_ =	sdelay $0x3  }
0x33: {  	p0 =	seq.s32 s10, $0x1;
	s10 =	sld [smem:$0x3FB7];
	_ =	sdelay $0x3  }
0x34: {  	[smem:$0x3FB7] =	sst s10  }
0x35: {  	s10 =	sld [smem:$0x3FB6];
	_ =	sdelay $0x3  }
0x36: {  	p1 =	seq.s32 s10, $0x1;
	s10 =	sld [smem:$0x3FB7];
	_ =	sdelay $0x3  }
0x37: {  	[smem:$0x3FB7] =	sst s10  }
0x38: {  	s10 =	sld [smem:$0x3FB8]  }
0x39: {  	_ = 	snop;
	(pc) =	sbr.ind lr, $3  }
0x3a: {  	_ = 	snop  }
0x3b: {  	_ = 	snop  }
0x3c: {  	p2 =	seq.s32 s10, $0x1;
	s10 =	sld [smem:$0x3FB7]  }
0x3d: {  	_ =	shalt  }
0x3e: {  	_ =	shalt  }
0x3f: {  	_ =	shalt  }
0x40: {  	_ =	shalt  }
0x41: {  	_ =	shalt  }
0x42: {  	_ =	shalt  }
0x43: {  	_ =	shalt  }
0x44: {  	_ =	shalt  }
0x45: {  	_ =	shalt  }
0x46: {  	_ =	shalt  }
0x47: {  	_ =	shalt  }
0x48: {  	_ =	shalt  }
0x49: {  	_ =	shalt  }
0x4a: {  	_ =	shalt  }
0x4b: {  	_ =	shalt  }
0x4c: {  	_ =	shalt  }
0x4d: {  	_ =	shalt  }
0x4e: {  	_ =	shalt  }
0x4f: {  	_ =	shalt  }
0x50: {  	_ =	shalt  }
0x51: {  	_ =	shalt  }
0x52: {  	_ =	shalt  }
0x53: {  	_ =	shalt  }
0x54: {  	_ =	shalt  }
0x55: {  	_ =	shalt  }
0x56: {  	_ =	shalt  }
0x57: {  	_ =	shalt  }
0x58: {  	_ =	shalt  }
0x59: {  	_ =	shalt  }
0x5a: {  	_ =	shalt  }
0x5b: {  	_ =	shalt  }
0x5c: {  	_ =	shalt  }
0x5d: {  	_ =	shalt  }
0x5e: {  	_ =	shalt  }
0x5f: {  	_ =	shalt  }
0x60: {  	_ =	shalt  }
0x61: {  	_ =	shalt  }
0x62: {  	_ =	shalt  }
0x63: {  	_ =	shalt  }
0x64: {  	_ =	shalt  }
0x65: {  	_ =	shalt  }
0x66: {  	_ =	shalt  }
0x67: {  	_ =	shalt  }
0x68: {  	_ =	shalt  }
0x69: {  	_ =	shalt  }
0x6a: {  	_ =	shalt  }
0x6b: {  	_ =	shalt  }
0x6c: {  	_ =	shalt  }
0x6d: {  	_ =	shalt  }
0x6e: {  	_ =	shalt  }
0x6f: {  	_ =	shalt  }
0x70: {  	_ =	shalt  }
0x71: {  	_ =	shalt  }
0x72: {  	_ =	shalt  }
0x73: {  	_ =	shalt  }
0x74: {  	_ =	shalt  }
0x75: {  	_ =	shalt  }
0x76: {  	_ =	shalt  }
0x77: {  	_ =	shalt  }
0x78: {  	_ =	shalt  }
0x79: {  	_ =	shalt  }
0x7a: {  	_ =	shalt  }
0x7b: {  	_ =	shalt  }
0x7c: {  	_ =	shalt  }
0x7d: {  	_ =	shalt  }
0x7e: {  	_ =	shalt  }
0x7f: {  	_ =	shalt  }
0x80: {  	_ =	shalt  }
0x81: {  	_ =	shalt  }
0x82: {  	_ =	shalt  }
0x83: {  	_ =	shalt  }
0x84: {  	_ =	shalt  }
0x85: {  	_ =	shalt  }
0x86: {  	_ =	shalt  }
0x87: {  	_ =	shalt  }
.Lfunc_end0:
.L_simem_size_0:
called_computation_lowered:
.L_overlay_start_0:
0x88: {  	s2 =	sld [smem:$0x3FD9]  }
0x89: {  	s3 =	sld [smem:$0x3FFE];
	_ =	sdelay $0x1  }
0x8a: {  	s1 =	srdreg.scid  }
0x8b: {  	s0 =	sand.u32 $0x1, s1  }
0x8c: {  	s14 =	sshll.u32 s0, $0xA;
	s2 =	sadd.s32 s3, s2  }
0x8d: {  	s2 =	sadd.s32 s2, s14  }
0x8e: {  	[smem:$0x3FC3] =	sst s2  }
0x8f: {  	_ = 	snop  }
0x90: {  	s2 =	sld [smem:$0x3FD0];
	_ =	sdelay $0x2  }
0x91: {  	s15 =	simm.s32 $0xA;
	s4 =	simm.s32 $0x10  }
0x92: {  	[smem:s4], [sflag:s15] =	dma.local [hbm:s2], $0x1  }
0x93: {  	_ =	swait.eq [sflag:s15], $0x1  }
0x94: {  	[sflag:s15] =	ssyncset.done $0x0  }
0x95: {  	[sflag:s15] =	ssyncadd.s32 $0xFFFFFFFF  }
0x96: {  	s16 =	sld [smem:$0x11];
	(tm) =	ssettm $0x1  }
0x97: {  	s17 =	sld [smem:$0x3FFB];
	_ =	sdelay $0x3  }
0x98: {  	_ =	strace s17  }
0x99: {  	s3 =	sld [smem:$0x3FFC];
	_ =	sdelay $0x3  }
0x9a: {  	_ =	strace s3  }
0x9b: {  	s3 =	sld [smem:$0x3FFD];
	_ =	sdelay $0x3  }
0x9c: {  	_ =	strace s3  }
0x9d: {  	_ =	strace $0x8FFFFFFF  }
0x9e: {  	s18 =	sld [smem:$0x3FDB];
	_ =	sdelay $0x1  }
0x9f: {  	s19 =	simm.s32 $_scs_section_size  }
0xa0: {  	s5 =	simm.s32 $_size__tile_overlayer_lowered;
	s6 =	simm.s32 $_tile_overlayer_lowered  }
0xa1: {  	s22 =	simm.s32 $0x1BFF;
	s21 =	sshll.u32 s6, $0x1;
	s3 =	sadd.s32 s19, s18  }
0xa2: {  	s7 =	simm.s32 $0x0;
	s20 =	sshll.u32 s5, $0x1;
	s5 =	sadd.s32 s21, s3  }
0xa3: {  	[timem:s7], [sflag:s22] =	dma.local [hbm:s5], s20  }
0xa4: {  	_ =	swait.ge [sflag:s22], s20  }
0xa5: {  	s4 =	ssub.s32 $0x0, s20;
	[sflag:s22] =	ssyncset.done $0x0  }
0xa6: {  	[sflag:s22] =	ssyncadd.s32 s4;
	_ =	sdelay $0x1  }
0xa7: {  	s23 =	simm.s32 $0x1B8B  }
0xa8: {  	_ =	swait.ge [sflag:s23], $0x1  }
0xa9: {  	[sflag:s23] =	ssyncset.done $0x0  }
0xaa: {  	s25 =	simm.s32 $0x1B8E;
	s24 =	sld [smem:$0x3FFE];
	[sflag:s23] =	ssyncadd.s32 $0xFFFFFFFF  }
0xab: {  	s26 =	simm.s32 $execute0_lowered;
	[smem:$0x3FD2] =	sst s25  }
0xac: {  	s5 =	sshll.u32 s26, $0x1;
	_ =	strace $0x80000046;
	[dreg:$0x1] =	wrdreg $0xFFFFFFFF  }
0xad: {  	s28 =	simm.s32 $_size_execute0_lowered;
	s3 =	sadd.s32 s3, s5;
	[dreg:$0x0] =	wrdreg $0x0  }
0xae: {  	s5 =	sshll.u32 s28, $0x1;
	[dreg:$0x2] =	wrdreg s3  }
0xaf: {  	[dreg:$0x3] =	wrdreg s5  }
0xb0: {  	[dreg:$0x4] =	wrdreg $0xC0  }
0xb1: {  	_ =	task [dreg:s7], $0x5FFFF  }
0xb2: {  	[dreg:$0x1] =	wrdreg $0xFFFFFFFF  }
0xb3: {  	[dreg:$0x0] =	wrdreg $0x60  }
0xb4: {  	[dreg:$0x2] =	wrdreg s24  }
0xb5: {  	[dreg:$0x3] =	wrdreg s16  }
0xb6: {  	[dreg:$0x4] =	wrdreg $0x9  }
0xb7: {  	_ =	task.clear_ibuf [dreg:s7], $0x5FFFF;
	_ =	strace $0x90000046  }
0xb8: {  	s29 =	simm.s32 $0x9;
	_ =	strace $0x80000048  }
0xb9: {  	_ =	swait.ge [sflag:s29], $0x1  }
0xba: {  	[sflag:s29] =	ssyncadd.s32 $0xFFFFFFFF  }
0xbb: {  	_ =	strace $0x90000048  }
0xbc: {  	_ =	sfence  }
0xbd: {  	s30 =	sld [smem:$0x0];
	_ =	sdelay $0x2  }
0xbe: {  	s31 =	sshll.u32 s1, $0xD;
	s1 =	sshrl.u32 s1, $0x2  }
0xbf: {  	s3 =	sand.u32 $0x4000, s31;
	s1 =	sadd.s32 s1, s30  }
0xc0: {  	s0 =	sor.u32 s3, s0;
	s1 =	sshll.u32 s1, $0x11  }
0xc1: {  	s0 =	sor.u32 s1, s0  }
0xc2: {  	s0 =	sadd.s32 $0x8F2B, s0  }
0xc3: {  	[sflag:s0] =	ssyncadd.remote.s32 $0x1  }
0xc4: {  	_ =	sfence.sel $0xFFFF  }
0xc5: {  	[dreg:$0x0] =	wrdreg $0xFFFFFFFF;
	(pc) =	sbr.abs _section_cstart, $3  }
0xc6: {  	[dreg:$0x1] =	wrdreg $0xFFFFFFFF  }
0xc7: {  	_ =	task.clear_ibuf [dreg:s7], $0x2FFFF;
	_ =	strace $0x9FFFFFFF  }
0xc8: {  	(tm) =	ssettm $0x7FFFFFFF  }
0xc9: {  	_ =	shalt  }
tec
execute0_lowered:
.L_overlay_start_1:
0x0: {  	(tag) =	ssettag $0x1  }
0x1: {  	s0 =	rddreg [dreg:$0x0];
	s3 =	simm.s32 $0x0  }
0x2: {  	s1 =	srdreg.scid;
	s2 =	stileid.u32;
	s25 =	simm.s32 $0x1  }
0x3: {  	s29 =	simm.s32 $0x3B00;
	s30 =	simm.s32 $0x0;
	[smem:$0x7FF] =	sst s3  }
0x4: {  	s1 =	sand.u32 $0x1, s1;
	s2 =	sshll.u32 s2, $0x1;
	s4 =	sadd.s32 $0x1000, s0  }
0x5: {  	s5 =	sadd.s32 $0x1400, s0;
	s2 =	sor.u32 s1, s2;
	s1 =	ssub.s32 $0x2, s1  }
0x6: {  	s6 =	sadd.s32 $0x1200, s0;
	s7 =	sshll.u32 s2, $0x7;
	s31 =	sshrl.u32 s1, $0x1  }
0x7: {  	_ =	strace $0x80000047;
	s0 =	sadd.s32 s7, s0;
	s1 =	ssub.s32 s1, s31  }
0x8: {  	s7 =	sshll.u32 s2, $0x6;
	s8 =	sadd.s32 $0x1600, s0;
	s9 =	sadd.s32 $0x2600, s0  }
0x9: {  	s10 =	sadd.s32 $0x3600, s0;
	s11 =	sadd.s32 $0x4600, s0;
	s12 =	sadd.s32 $0x5600, s0  }
0xa: {  	s13 =	sadd.s32 $0x6600, s0;
	s14 =	sadd.s32 $0x7600, s0;
	s15 =	sadd.s32 $0x8600, s0  }
0xb: {  	s16 =	sadd.s32 $0x9600, s0;
	s17 =	sadd.s32 $0xA600, s0;
	s18 =	sadd.s32 $0xB600, s0  }
0xc: {  	s19 =	sadd.s32 $0xC600, s0;
	s20 =	sadd.s32 $0xD600, s0;
	s21 =	sadd.s32 $0xE600, s0  }
0xd: {  	v0 =	vlaneseq.u32;
	s22 =	sadd.s32 $0xF600, s0;
	s23 =	sadd.s32 $0x10600, s0;
	s24 =	smax.u32 s1, $0x1  }
.LBB2_1:
0xe: {  	[tilespmem:s3], [sflag:$0x1] =	stream.linear.gather [hbm4b:s4+s3], $0x800, $0x38;
	[tilespmem:$0x3F00] =	vst v63  }
0xf: {  	_ =	swait.ge [sflag:s25], $0x800  }
0x10: {  	[sflag:s25] =	ssyncset.done $0x0  }
0x11: {  	[sflag:s25] =	ssyncadd.s32 $0xFFFFF800  }
0x12: {  	s0 =	simm.s32 $0x880;
	s1 =	rddreg [dreg:$0x1]  }
0x13: {  	[tilespmem:s0], [sflag:$0x1] =	stream.linear.gather [hbm4b:s1+s3], $0x800, $0x38;
	[tilespmem:$0x3F00] =	vst v63  }
0x14: {  	_ =	swait.ge [sflag:s25], $0x800  }
0x15: {  	[sflag:s25] =	ssyncset.done $0x0  }
0x16: {  	s2 =	simm.s32 $0x1100;
	[sflag:s25] =	ssyncadd.s32 $0xFFFFF800  }
0x17: {  	[tilespmem:s2], [sflag:$0x1] =	stream.linear.gather [hbm4b:s5+s3], $0x800, $0x38;
	[tilespmem:$0x3F00] =	vst v63  }
0x18: {  	_ =	swait.ge [sflag:s25], $0x800  }
0x19: {  	[sflag:s25] =	ssyncset.done $0x0  }
0x1a: {  	s26 =	simm.s32 $0x1980;
	[sflag:s25] =	ssyncadd.s32 $0xFFFFF800  }
0x1b: {  	[tilespmem:s26], [sflag:$0x1] =	stream.linear.gather [hbm4b:s6+s3], $0x800, $0x38;
	[tilespmem:$0x3F00] =	vst v63  }
0x1c: {  	_ =	swait.ge [sflag:s25], $0x800  }
0x1d: {  	[sflag:s25] =	ssyncset.done $0x0  }
0x1e: {  	[sflag:s25] =	ssyncadd.s32 $0xFFFFF800  }
0x1f: {  	v1 =	vld [tilespmem:s3+$0x0]  }
0x20: {  	v2 =	vld [tilespmem:s0+$0x0];
	_ =	sdelay $0x4  }
0x21: {  	v1 =	vmul.f32 v1, v1;
	v2 =	vmul.f32 v2, v2;
	_ =	sdelay $0x1  }
0x22: {  	v1 =	vadd.f32 v2, v1  }
0x23: {  	s1 =	simm.s32 $0x2200  }
0x24: {  	s0 =	simm.s32 $0x2A80;
	[tilespmem:s1+$0x0] =	vst v1;
	v1 =	vor.u32 s3, v0  }
0x25: {  	s31 =	simm.s32 $0x10;
	[tilespmem:s0+$0x0] =	vst v1  }
0x26: {  	s2 =	simm.s32 $0x890;
	v1 =	vld [tilespmem:s31+$0x0]  }
0x27: {  	v2 =	vld [tilespmem:s2+$0x0]  }
0x28: {  	s28 =	simm.s32 $0x10;
	s26 =	simm.s32 $0x20  }
.LBB2_2:
0x29: {  	p0 =	sne.s32 s26, $0x7F0;
	_ =	sdelay $0x2  }
0x2a: {  	v1 =	vmul.f32 v1, v1;
	v2 =	vmul.f32 v2, v2;
	_ =	sdelay $0x1  }
0x2b: {  	v1 =	vadd.f32 v2, v1  }
0x2c: {  	s1 =	sadd.s32 $0x10, s1  }
.Ltmp0:
0x2d: {  	s0 =	sadd.s32 $0x10, s0;
	[tilespmem:s1+$0x0] =	vst v1;
	v1 =	vor.u32 s31, v0;
	s31 =	smov.u32 s26;
	(pc) =	sbr.rel @p0 .LBB2_2-.Ltmp0, $4  }
0x2e: {  	s28 =	sadd.s32 $0x10, s28;
	[tilespmem:s0+$0x0] =	vst v1  }
0x2f: {  	s2 =	sadd.s32 $0x10, s2;
	v1 =	vld [tilespmem:s28+$0x0]  }
0x30: {  	v2 =	vld [tilespmem:s2+$0x0]  }
0x31: {  	s26 =	sadd.s32 $0x10, s26  }
0x32: {  	_ =	sdelay $0x2  }
0x33: {  	v1 =	vmul.f32 v1, v1;
	v2 =	vmul.f32 v2, v2;
	_ =	sdelay $0x1  }
0x34: {  	v1 =	vadd.f32 v2, v1  }
0x35: {  	s1 =	sadd.s32 $0x10, s1  }
0x36: {  	s0 =	sadd.s32 $0x10, s0;
	[tilespmem:s1+$0x0] =	vst v1;
	v1 =	vor.u32 s31, v0  }
0x37: {  	s31 =	simm.s32 $0x0;
	[tilespmem:s0+$0x0] =	vst v1  }
.LBB2_4:
0x38: {  	s0 =	sshll.u32 s31, $0x2;
	s2 =	simm.s32 $0x0  }
0x39: {  	s1 =	sor.u32 s7, s0;
	v19 =	vld [tilespmem:s2+$0x2200]  }
0x3a: {  	v1 =	vld [tilespmem:s1+$0x1100]  }
0x3b: {  	v2 =	vld [tilespmem:s1+$0x1980]  }
0x3c: {  	v3 =	vld [tilespmem:s1+$0x1101]  }
0x3d: {  	v4 =	vld [tilespmem:s1+$0x1981]  }
0x3e: {  	v5 =	vld [tilespmem:s1+$0x1102]  }
0x3f: {  	v12 =	vld [tilespmem:s1+$0x1103]  }
0x40: {  	v14 =	vld [tilespmem:s1+$0x1983]  }
0x41: {  	v7 =	vld.msk [tilespmem:s1+$0x2201 ss:$0x0], $0xffff  }
0x42: {  	v13 =	vld.msk [tilespmem:s1+$0x2202 ss:$0x0], $0xffff  }
0x43: {  	v6 =	vld [tilespmem:s1+$0x1982];
	v1 =	vmul.f32 $-2.000000000e+00, v1;
	v2 =	vmul.f32 $-2.000000000e+00, v2  }
0x44: {  	v3 =	vmul.f32 $-2.000000000e+00, v3;
	v4 =	vmul.f32 $-2.000000000e+00, v4  }
0x45: {  	v20 =	vld [tilespmem:s2+$0x1100];
	v12 =	vmul.f32 $-2.000000000e+00, v12;
	v18 =	vmul.f32 $-2.000000000e+00, v14  }
0x46: {  	v27 =	vld [tilespmem:s2+$0x1980];
	v22 =	vadd.f32 v19, v7;
	v8 =	vbroadcast v1, $0x0;
	v9 =	vbroadcast v2, $0x0  }
0x47: {  	s26 =	sor.u32 $0x1, s1;
	v24 =	vadd.f32 v19, v13;
	v10 =	vbroadcast v3, $0x0;
	v11 =	vbroadcast v4, $0x0  }
0x48: {  	s28 =	sor.u32 $0x2, s1;
	v4 =	vmov s26;
	v2 =	vmul.f32 $-2.000000000e+00, v5;
	v3 =	vmul.f32 $-2.000000000e+00, v6  }
0x49: {  	v14 =	vld.msk [tilespmem:s1+$0x2200 ss:$0x0], $0xffff;
	v6 =	vmov s28;
	v17 =	vbroadcast v12, $0x0;
	v18 =	vbroadcast v18, $0x0  }
0x4a: {  	p2 =	por $0x1, $0x1;
	s28 =	sor.u32 $0x3, s1;
	v1 =	vmov s1;
	v15 =	vbroadcast v2, $0x0;
	v16 =	vbroadcast v3, $0x0  }
.Ltmp1:
0x4b: {  	v5 =	vmov s28;
	v23 =	vmul.f32 v20, v8;
	v26 =	vmul.f32 v27, v9;
	(pc) =	sbr.rel @!p2 .LBB2_5-.Ltmp1, $4  }
0x4c: {  	v12 =	vld.msk [tilespmem:s1+$0x2203 ss:$0x0], $0xffff;
	v3 =	vimm.f32 $3.000000010e+38;
	v28 =	vmul.f32 v20, v10;
	v29 =	vmul.f32 v27, v11  }
0x4d: {  	v2 =	vimm.s32 $0x0;
	v30 =	vmul.f32 v20, v15;
	v31 =	vmul.f32 v27, v16  }
0x4e: {  	v25 =	vmul.f32 v20, v17;
	v21 =	vadd.f32 v19, v14;
	v23 =	vadd.f32 v26, v23  }
0x4f: {  	p0 =	por $0x0, $0x0;
	p1 =	por $0x0, $0x0;
	v20 =	vld [tilespmem:s2+$0x2A80];
	v26 =	vadd.f32 v29, v28;
	v28 =	vmul.f32 v27, v18;
	v27 =	vadd.f32 v31, v30  }
0x50: {  	s1 =	simm.s32 $0x10  }
0x51: {  	v24 =	vadd.f32 v27, v24;
	v27 =	vld [tilespmem:s1+$0x1100]  }
0x52: {  	v25 =	vadd.f32 v28, v25;
	v19 =	vadd.f32 v19, v12;
	v28 =	vld [tilespmem:s1+$0x1980];
	_ =	sdelay $0x1  }
0x53: {  	v21 =	vadd.f32 v23, v21;
	v25 =	vadd.f32 v25, v19;
	v19 =	vld [tilespmem:s1+$0x2200]  }
0x54: {  	v22 =	vadd.f32 v26, v22;
	vm0 =	veq.s32 v20, v6;
	vm1 =	veq.s32 v20, v4  }
0x55: {  	vm14 =	veq.s32 v20, v5;
	vm15 =	veq.s32 v20, v1;
	v24 =	vsel vm0, $0x7F61B1E6, v24  }
0x56: {  	p2 =	por $0x1, $0x1;
	v22 =	vsel vm1, $0x7F61B1E6, v22;
	(xrf1) =	vsort.ascd.msk.f32 $0xffff, v24, v20;
	v26 =	vmul.f32 v27, v10;
	v29 =	vmul.f32 v28, v11  }
.Ltmp2:
0x57: {  	v23 =	vsel vm14, $0x7F61B1E6, v25;
	v30 =	vmul.f32 v27, v15;
	v31 =	vmul.f32 v28, v16;
	(xrf1) =	vsort.ascd.msk.f32 $0xffff, v22, v20;
	(pc) =	sbr.rel @!p2 .LBB2_7-.Ltmp2, $4  }
0x58: {  	v21 =	vsel vm15, $0x7F61B1E6, v21;
	(xrf1) =	vsort.ascd.msk.f32 $0xffff, v23, v20;
	v23 =	vmul.f32 v28, v9;
	v22 =	vadd.f32 v19, v7  }
0x59: {  	v24 =	vadd.f32 v19, v13;
	(xrf1) =	vsort.ascd.msk.f32 $0xffff, v21, v20;
	v20 =	vmul.f32 v27, v8  }
0x5a: {  	v25 =	vmul.f32 v27, v17;
	v26 =	vadd.f32 v29, v26;
	v21 =	vadd.f32 v19, v14  }
0x5b: {  	p0 =	por $0x1, $0x1;
	v28 =	vmul.f32 v28, v18;
	v27 =	vadd.f32 v31, v30;
	v23 =	vadd.f32 v23, v20;
	v20 =	vld [tilespmem:s1+$0x2A80]  }
0x5c: {  	_ =	sdelay $0x5  }
0x5d: {  	v19 =	vadd.f32 v19, v12;
	v25 =	vadd.f32 v28, v25  }
0x5e: {  	v24 =	vadd.f32 v27, v24  }
0x5f: {  	v22 =	vadd.f32 v26, v22;
	v25 =	vadd.f32 v25, v19;
	vm0 =	veq.s32 v20, v6;
	v29, v30, _ =	vpop (xrf1)  }
0x60: {  	s2 =	simm.s32 $0x20;
	vm1 =	veq.s32 v20, v4;
	v24 =	vsel vm0, $0x7F61B1E6, v24;
	v26, v27, _ =	vpop (xrf1)  }
0x61: {  	v21 =	vadd.f32 v23, v21;
	v32 =	vld [tilespmem:s2+$0x1100];
	vm11 =	veq.s32 v20, v5;
	v22 =	vsel vm1, $0x7F61B1E6, v22;
	(xrf1) =	vsort.ascd.msk.f32 $0xffff, v24, v20;
	v28, v31, _ =	vpop (xrf1)  }
0x62: {  	v23 =	vsel vm11, $0x7F61B1E6, v25;
	(xrf1) =	vsort.ascd.msk.f32 $0xffff, v22, v20;
	vm12 =	vlt.f32 v28, v3;
	v22 =	vmin.f32 v3, v28;
	v28 =	vld [tilespmem:s2+$0x1980]  }
0x63: {  	vm10 =	veq.s32 v20, v1;
	(xrf1) =	vsort.ascd.msk.f32 $0xffff, v23, v20;
	v23 =	vsel vm12, v31, v2  }
0x64: {  	v21 =	vsel vm10, $0x7F61B1E6, v21;
	vm13 =	vlt.f32 v26, v3;
	v26 =	vmin.f32 v3, v26;
	v24, v25, _ =	vpop (xrf1);
	(xrf1) =	vsort.dscd.msk.f32 $0xffff, v22, v23  }
0x65: {  	vm14 =	vlt.f32 v24, v3;
	(xrf1) =	vsort.ascd.msk.f32 $0xffff, v21, v20;
	v20 =	vsel vm13, v27, v2  }
0x66: {  	v19 =	vld [tilespmem:s2+$0x2200];
	v23 =	vsel vm14, v25, v2;
	v21 =	vmin.f32 v3, v24;
	(xrf1) =	vsort.dscd.msk.f32 $0xffff, v26, v20  }
0x67: {  	v20 =	vmul.f32 v32, v8;
	(xrf1) =	vsort.dscd.msk.f32 $0xffff, v21, v23;
	v23 =	vmul.f32 v28, v9  }
0x68: {  	p2 =	por $0x1, $0x1  }
.Ltmp3:
0x69: {  	vm15 =	vlt.f32 v29, v3;
	v31 =	vmul.f32 v32, v15;
	v23 =	vadd.f32 v23, v20;
	v20 =	vld [tilespmem:s2+$0x2A80];
	(pc) =	sbr.rel @!p2 .LBB2_10-.Ltmp3, $4  }
0x6a: {  	v29 =	vmin.f32 v3, v29;
	v25 =	vmul.f32 v32, v17;
	v26 =	vmul.f32 v32, v10  }
0x6b: {  	v22 =	vadd.f32 v19, v7;
	v27 =	vmul.f32 v28, v11;
	v63 =	vmul.f32 v28, v16  }
0x6c: {  	v24 =	vadd.f32 v19, v13;
	v21 =	vadd.f32 v19, v14;
	v28 =	vmul.f32 v28, v18  }
0x6d: {  	s1 =	simm.s32 $0xC0;
	p1 =	por $0x1, $0x1;
	v30 =	vsel vm15, v30, v2;
	v26 =	vadd.f32 v27, v26;
	v27 =	vadd.f32 v63, v31  }
.LBB2_9:
0x6e: {  	p2 =	sne.s32 s1, $0x1FC0;
	vm0 =	veq.s32 v20, v1;
	v25 =	vadd.f32 v28, v25;
	(xrf1) =	vsort.dscd.msk.f32 $0xffff, v29, v30;
	s2 =	smov.u32 s1;
	s1 =	sadd.s32 $0x40, s1  }
0x6f: {  	v19 =	vadd.f32 v19, v12;
	v34 =	vadd.f32 v27, v24;
	v29, v30, _ =	vpop (xrf1)  }
0x70: {  	v21 =	vadd.f32 v23, v21;
	v35 =	vadd.f32 v26, v22;
	vm1 =	veq.s32 v20, v6;
	v23, v26, _ =	vpop (xrf1)  }
0x71: {  	vm2 =	veq.s32 v20, v4;
	v37 =	vadd.f32 v25, v19;
	v34 =	vsel vm1, $0x7F61B1E6, v34;
	v27, v28, _ =	vpop (xrf1)  }
0x72: {  	s2 =	sshra.s32 s2, $0x2;
	v21 =	vsel vm0, $0x7F61B1E6, v21;
	v33 =	vsel vm2, $0x7F61B1E6, v35;
	vm0 =	veq.s32 v20, v5;
	(xrf1) =	vsort.ascd.msk.f32 $0xffff, v34, v20;
	v24, v31, _ =	vpop (xrf1)  }
0x73: {  	v36 =	vsel vm0, $0x7F61B1E6, v37;
	v19 =	vld [tilespmem:s2+$0x2200];
	(xrf1) =	vsort.ascd.msk.f32 $0xffff, v33, v20;
	vm0 =	vlt.f32 v27, v24;
	v22, v32, _ =	vpop (xrf1)  }
0x74: {  	v35 =	vmin.f32 v24, v27;
	v33 =	vld [tilespmem:s2+$0x1100];
	(xrf1) =	vsort.ascd.msk.f32 $0xffff, v36, v20;
	v34 =	vsel vm0, v28, v31;
	v27, v28, _ =	vpop (xrf1)  }
0x75: {  	v31 =	vld [tilespmem:s2+$0x1980];
	vm0 =	vlt.f32 v23, v27;
	v23 =	vmin.f32 v27, v23;
	(xrf1) =	vsort.dscd.msk.f32 $0xffff, v35, v34;
	v24, v25, _ =	vpop (xrf1)  }
0x76: {  	(xrf1) =	vsort.ascd.msk.f32 $0xffff, v21, v20;
	vm1 =	vlt.f32 v22, v24;
	v20 =	vsel vm0, v26, v28  }
0x77: {  	v21 =	vmin.f32 v24, v22;
	v24 =	vsel vm1, v32, v25;
	(xrf1) =	vsort.dscd.msk.f32 $0xffff, v23, v20  }
0x78: {  	v22 =	vadd.f32 v19, v7;
	(xrf1) =	vsort.dscd.msk.f32 $0xffff, v21, v24  }
0x79: {  	v24 =	vadd.f32 v19, v13;
	v25 =	vmul.f32 v33, v17  }
.Ltmp4:
0x7a: {  	v21 =	vadd.f32 v19, v14;
	v23 =	vmul.f32 v33, v8;
	v20 =	vld [tilespmem:s2+$0x2A80];
	v26 =	vmul.f32 v31, v9;
	(pc) =	sbr.rel @p2 .LBB2_9-.Ltmp4, $4  }
0x7b: {  	v27 =	vmul.f32 v33, v10;
	v28 =	vmul.f32 v31, v11  }
0x7c: {  	v32 =	vmul.f32 v33, v15;
	v33 =	vmul.f32 v31, v16;
	v23 =	vadd.f32 v26, v23;
	v34, v35, _ =	vpop (xrf1)  }
0x7d: {  	v26 =	vadd.f32 v28, v27;
	v28 =	vmul.f32 v31, v18;
	vm0 =	vlt.f32 v29, v34  }
0x7e: {  	v27 =	vadd.f32 v33, v32;
	v29 =	vmin.f32 v34, v29;
	v30 =	vsel vm0, v30, v35  }
.LBB2_10:
0x7f: {  	v11 =	vadd.f32 v19, v12  }
0x80: {  	v10 =	vadd.f32 v27, v24  }
0x81: {  	v8, v9, _ =	vpop @p0 (xrf1)  }
0x82: {  	(xrf1) =	vsort.dscd.msk.f32 @p1 $0xffff, v29, v30;
	v7 =	vadd.f32 v28, v25;
	v12, v13, _ =	vpop @p0 (xrf1)  }
0x83: {  	vm1 =	veq.s32 v20, v6;
	v14 =	vadd.f32 v26, v22;
	v6, v15, _ =	vpop @p0 (xrf1)  }
0x84: {  	vm2 =	veq.s32 v20, v4;
	v7 =	vadd.f32 v7, v11;
	v49 =	vsel vm1, $0x7F61B1E6, v10;
	v10, v11, _ =	vpop @p1 (xrf1)  }
0x85: {  	vm11 =	veq.s32 v20, v5;
	v14 =	vsel vm2, $0x7F61B1E6, v14;
	(xrf1) =	vsort.ascd.msk.f32 $0xffff, v49, v20  }
0x86: {  	v7 =	vsel vm11, $0x7F61B1E6, v7;
	v4 =	vpsel p1, v10, v3;
	v5, v10, _ =	vpop @p0 (xrf1);
	(xrf1) =	vsort.ascd.msk.f32 $0xffff, v14, v20  }
0x87: {  	vm1 =	vlt.f32 @p0 v6, v4;
	(xrf1) =	vsort.ascd.msk.f32 $0xffff, v7, v20;
	v7 =	vpsel p1, v11, v2  }
0x88: {  	v4 =	vmin.f32 @p0 v4, v6;
	v6 =	vsel @p0 vm1, v15, v7  }
0x89: {  	v14, v17, _ =	vpop @p1 (xrf1)  }
0x8a: {  	v16 =	vadd.f32 v23, v21;
	v11 =	vpsel p1, v14, v3  }
0x8b: {  	vm1 =	vlt.f32 @p0 v12, v11;
	v11 =	vmin.f32 @p0 v11, v12;
	v12 =	vpsel p1, v17, v2  }
0x8c: {  	vm0 =	veq.s32 v20, v1;
	(xrf1) =	vsort.dscd.msk.f32 @p0 $0xffff, v4, v6;
	v7 =	vsel @p0 vm1, v13, v12;
	v4, v6, _ =	vpop @p1 (xrf1)  }
0x8d: {  	v50 =	vsel vm0, $0x7F61B1E6, v16;
	v6 =	vpsel p1, v6, v2  }
0x8e: {  	(xrf1) =	vsort.ascd.msk.f32 $0xffff, v50, v20;
	v4 =	vpsel p1, v4, v3  }
0x8f: {  	(xrf1) =	vsort.dscd.msk.f32 @p0 $0xffff, v11, v7;
	vm0 =	vlt.f32 @p0 v5, v4  }
0x90: {  	v4 =	vmin.f32 @p0 v4, v5;
	v5 =	vsel @p0 vm0, v10, v6;
	v6, v7, _ =	vpop @p1 (xrf1)  }
0x91: {  	(xrf1) =	vsort.dscd.msk.f32 @p0 $0xffff, v4, v5;
	v4 =	vpsel p1, v6, v3  }
0x92: {  	v5 =	vpsel p1, v7, v2;
	vm0 =	vlt.f32 @p0 v8, v4  }
0x93: {  	v5 =	vsel @p0 vm0, v9, v5  }
0x94: {  	v4 =	vmin.f32 @p0 v4, v8;
	v5 =	vpsel p0, v5, v0  }
0x95: {  	v4 =	vpsel p0, v4, v0;
	_ =	sdelay $0x1  }
0x96: {  	(xrf1) =	vsort.dscd.msk.f32 @p0 $0xffff, v4, v5  }
0x97: {  	v4, v5, _ =	vpop (xrf1)  }
0x98: {  	v51, v52, _ =	vpop (xrf1)  }
0x99: {  	v53, v54, _ =	vpop (xrf1)  }
0x9a: {  	v10, v11, _ =	vpop @p0 (xrf1)  }
0x9b: {  	v10 =	vpsel p0, v10, v3;
	v12, v13, _ =	vpop (xrf1)  }
0x9c: {  	v55 =	vpsel p0, v11, v2;
	v14, v15, _ =	vpop @p0 (xrf1)  }
0x9d: {  	vm12 =	vlt.f32 v53, v10;
	v8 =	vmin.f32 v10, v53;
	v56 =	vpsel p0, v14, v3  }
0x9e: {  	v9 =	vsel vm12, v54, v55;
	v58 =	vpsel p0, v15, v2;
	vm13 =	vlt.f32 v51, v56;
	v10, v11, _ =	vpop @p0 (xrf1)  }
0x9f: {  	v6 =	vmin.f32 v56, v51;
	(xrf1) =	vsort.dscd.msk.f32 $0xffff, v8, v9;
	v57 =	vpsel p0, v10, v3  }
0xa0: {  	v7 =	vsel vm13, v52, v58;
	v59 =	vpsel p0, v11, v2;
	vm14 =	vlt.f32 v12, v57  }
0xa1: {  	v8 =	vmin.f32 v57, v12;
	(xrf1) =	vsort.dscd.msk.f32 $0xffff, v6, v7;
	v9 =	vsel vm14, v13, v59  }
0xa2: {  	(xrf1) =	vsort.dscd.msk.f32 $0xffff, v8, v9;
	_ =	sdelay $0x1  }
0xa3: {  	v6, v7, _ =	vpop @p0 (xrf1)  }
0xa4: {  	v3 =	vpsel p0, v6, v3  }
0xa5: {  	v2 =	vpsel p0, v7, v2;
	vm15 =	vlt.f32 v4, v3  }
0xa6: {  	v3 =	vmin.f32 v3, v4;
	v2 =	vsel vm15, v5, v2  }
0xa7: {  	(xrf1) =	vsort.dscd.msk.f32 $0xffff, v3, v2;
	_ =	sdelay $0x5  }
0xa8: {  	v2, v3, _ =	vpop (xrf1)  }
0xa9: {  	v60, v61, _ =	vpop (xrf1)  }
0xaa: {  	v62, v63, _ =	vpop (xrf1)  }
0xab: {  	(xrf1) =	vsort.ascd.msk.f32 $0xffff, v62, v63  }
0xac: {  	(xrf1) =	vsort.ascd.msk.f32 $0xffff, v60, v61;
	_ =	sdelay $0x3  }
0xad: {  	v4, v5, _ =	vpop (xrf1)  }
0xae: {  	(xrf1) =	vsort.ascd.msk.f32 $0xffff, v4, v5;
	_ =	sdelay $0x4  }
0xaf: {  	(xrf1) =	vsort.ascd.msk.f32 $0xffff, v2, v3;
	_ =	sdelay $0x1  }
0xb0: {  	s1 =	sshll.u32 s31, $0x6  }
0xb1: {  	s2 =	sor.u32 $0x1, s0;
	[tilespmem:s1+$0x3700] =	vst v1;
	_, v2, _ =	vpop (xrf1)  }
0xb2: {  	s28 =	sshll.u32 s2, $0x4;
	s2 =	sor.u32 s7, s2;
	[tilespmem:s1+$0x3300] =	vst v2;
	_, v1, _ =	vpop (xrf1)  }
0xb3: {  	[tilespmem:s28+$0x3300] =	vst v1;
	v1 =	vmov s2;
	_ =	sdelay $0x2  }
0xb4: {  	s26 =	sor.u32 $0x2, s0  }
0xb5: {  	s2 =	sor.u32 s7, s26;
	[tilespmem:s28+$0x3700] =	vst v1;
	s28 =	sshll.u32 s26, $0x4;
	_, v1, _ =	vpop (xrf1)  }
0xb6: {  	s31 =	sadd.s32 $0x1, s31;
	[tilespmem:s28+$0x3300] =	vst v1;
	v1 =	vmov s2  }
0xb7: {  	p0 =	sne.s32 s31, $0x10  }
.Ltmp5:
0xb8: {  	_ = 	snop;
	(pc) =	sbr.rel @p0 .LBB2_4-.Ltmp5, $4  }
.Ltmp6:
0xb9: {  	s26 =	sor.u32 $0x3, s0;
	(pc) =	sbr.rel @!p0 .LBB2_11-.Ltmp6, $4  }
0xba: {  	s0 =	sor.u32 s7, s26;
	[tilespmem:s28+$0x3700] =	vst v1;
	s28 =	sshll.u32 s26, $0x4;
	_, v1, _ =	vpop (xrf1)  }
0xbb: {  	[tilespmem:s28+$0x3300] =	vst v1;
	v1 =	vmov s0  }
0xbc: {  	[tilespmem:s28+$0x3700] =	vst v1  }
0xbd: {  	_ = 	snop  }
.LBB2_5:
.Ltmp7:
0xbe: {  	(pc) =	sbr.rel .LBB2_10-.Ltmp7, $2  }
0xbf: {  	_ =	sdelay $0x2  }
0xc0: {  	_ = 	snop  }
.LBB2_7:
.Ltmp8:
0xc1: {  	(pc) =	sbr.rel .LBB2_10-.Ltmp8, $2  }
0xc2: {  	_ =	sdelay $0x2  }
0xc3: {  	_ = 	snop  }
.LBB2_11:
0xc4: {  	s0 =	simm.s32 $0x0  }
0xc5: {  	s1 =	simm.s32 $0x40;
	v1 =	vld [tilespmem:s0+$0x3300]  }
.LBB2_12:
0xc6: {  	p0 =	sne.s32 s1, $0xFC0  }
.Ltmp9:
0xc7: {  	_ = 	snop;
	(pc) =	sbr.rel @p0 .LBB2_12-.Ltmp9, $3  }
0xc8: {  	_ =	sdelay $0x1  }
0xc9: {  	[tilespmem:s0+$0x3B00] =	vst v1;
	s0 =	sshra.s32 s1, $0x2;
	s1 =	sadd.s32 $0x40, s1  }
0xca: {  	v1 =	vld [tilespmem:s0+$0x3300]  }
0xcb: {  	_ =	sdelay $0x3  }
0xcc: {  	s31 =	simm.s32 $0x0;
	[tilespmem:s0+$0x3B00] =	vst v1  }
0xcd: {  	[hbm4b:s8+s31] =	stream.linear.scatter [tilespmem:s29], [sflag:$0x1], $0x400, $0x38;
	[tilespmem:$0x3F00] =	vst v63  }
0xce: {  	_ =	swait.ge [sflag:s25], $0x400  }
0xcf: {  	[sflag:s25] =	ssyncset.done $0x0  }
0xd0: {  	s0 =	simm.s32 $0x0;
	[sflag:s25] =	ssyncadd.s32 $0xFFFFFC00  }
0xd1: {  	s1 =	simm.s32 $0x40;
	v1 =	vld [tilespmem:s0+$0x3300]  }
.LBB2_14:
0xd2: {  	p0 =	sne.s32 s1, $0xFC0  }
.Ltmp10:
0xd3: {  	_ = 	snop;
	(pc) =	sbr.rel @p0 .LBB2_14-.Ltmp10, $3  }
0xd4: {  	_ =	sdelay $0x1  }
0xd5: {  	s2 =	sshra.s32 s1, $0x2;
	s1 =	sadd.s32 $0x40, s1;
	v2 =	vadd.s32 $0x800, v1  }
0xd6: {  	v1 =	vld [tilespmem:s2+$0x3300];
	[tilespmem:s0+$0x3B00] =	vst v2;
	s0 =	smov.u32 s2  }
0xd7: {  	_ =	sdelay $0x3  }
0xd8: {  	v1 =	vadd.s32 $0x800, v1  }
0xd9: {  	s31 =	simm.s32 $0x0;
	[tilespmem:s0+$0x3B00] =	vst v1  }
0xda: {  	[hbm4b:s9+s31] =	stream.linear.scatter [tilespmem:s29], [sflag:$0x1], $0x400, $0x38;
	[tilespmem:$0x3F00] =	vst v63  }
0xdb: {  	_ =	swait.ge [sflag:s25], $0x400  }
0xdc: {  	[sflag:s25] =	ssyncset.done $0x0  }
0xdd: {  	s0 =	simm.s32 $0x0;
	[sflag:s25] =	ssyncadd.s32 $0xFFFFFC00  }
0xde: {  	s1 =	simm.s32 $0x40;
	v1 =	vld [tilespmem:s0+$0x3300]  }
.LBB2_16:
0xdf: {  	p0 =	sne.s32 s1, $0xFC0  }
.Ltmp11:
0xe0: {  	_ = 	snop;
	(pc) =	sbr.rel @p0 .LBB2_16-.Ltmp11, $3  }
0xe1: {  	_ =	sdelay $0x1  }
0xe2: {  	s2 =	sshra.s32 s1, $0x2;
	s1 =	sadd.s32 $0x40, s1;
	v2 =	vadd.s32 $0x1000, v1  }
0xe3: {  	v1 =	vld [tilespmem:s2+$0x3300];
	[tilespmem:s0+$0x3B00] =	vst v2;
	s0 =	smov.u32 s2  }
0xe4: {  	_ =	sdelay $0x3  }
0xe5: {  	v1 =	vadd.s32 $0x1000, v1  }
0xe6: {  	s31 =	simm.s32 $0x0;
	[tilespmem:s0+$0x3B00] =	vst v1  }
0xe7: {  	[hbm4b:s10+s31] =	stream.linear.scatter [tilespmem:s29], [sflag:$0x1], $0x400, $0x38;
	[tilespmem:$0x3F00] =	vst v63  }
0xe8: {  	_ =	swait.ge [sflag:s25], $0x400  }
0xe9: {  	[sflag:s25] =	ssyncset.done $0x0  }
0xea: {  	s0 =	simm.s32 $0x0;
	[sflag:s25] =	ssyncadd.s32 $0xFFFFFC00  }
0xeb: {  	s1 =	simm.s32 $0x40;
	v1 =	vld [tilespmem:s0+$0x3300]  }
.LBB2_18:
0xec: {  	p0 =	sne.s32 s1, $0xFC0  }
.Ltmp12:
0xed: {  	_ = 	snop;
	(pc) =	sbr.rel @p0 .LBB2_18-.Ltmp12, $3  }
0xee: {  	_ =	sdelay $0x1  }
0xef: {  	s2 =	sshra.s32 s1, $0x2;
	s1 =	sadd.s32 $0x40, s1;
	v2 =	vadd.s32 $0x1800, v1  }
0xf0: {  	v1 =	vld [tilespmem:s2+$0x3300];
	[tilespmem:s0+$0x3B00] =	vst v2;
	s0 =	smov.u32 s2  }
0xf1: {  	_ =	sdelay $0x3  }
0xf2: {  	v1 =	vadd.s32 $0x1800, v1  }
0xf3: {  	s31 =	simm.s32 $0x0;
	[tilespmem:s0+$0x3B00] =	vst v1  }
0xf4: {  	[hbm4b:s11+s31] =	stream.linear.scatter [tilespmem:s29], [sflag:$0x1], $0x400, $0x38;
	[tilespmem:$0x3F00] =	vst v63  }
0xf5: {  	_ =	swait.ge [sflag:s25], $0x400  }
0xf6: {  	[sflag:s25] =	ssyncset.done $0x0  }
0xf7: {  	s0 =	simm.s32 $0x0;
	[sflag:s25] =	ssyncadd.s32 $0xFFFFFC00  }
0xf8: {  	s1 =	simm.s32 $0x40;
	v1 =	vld [tilespmem:s0+$0x3300]  }
.LBB2_20:
0xf9: {  	p0 =	sne.s32 s1, $0xFC0  }
.Ltmp13:
0xfa: {  	_ = 	snop;
	(pc) =	sbr.rel @p0 .LBB2_20-.Ltmp13, $3  }
0xfb: {  	_ =	sdelay $0x1  }
0xfc: {  	s2 =	sshra.s32 s1, $0x2;
	s1 =	sadd.s32 $0x40, s1;
	v2 =	vadd.s32 $0x2000, v1  }
0xfd: {  	v1 =	vld [tilespmem:s2+$0x3300];
	[tilespmem:s0+$0x3B00] =	vst v2;
	s0 =	smov.u32 s2  }
0xfe: {  	_ =	sdelay $0x3  }
0xff: {  	v1 =	vadd.s32 $0x2000, v1  }
0x100: {  	s31 =	simm.s32 $0x0;
	[tilespmem:s0+$0x3B00] =	vst v1  }
0x101: {  	[hbm4b:s12+s31] =	stream.linear.scatter [tilespmem:s29], [sflag:$0x1], $0x400, $0x38;
	[tilespmem:$0x3F00] =	vst v63  }
0x102: {  	_ =	swait.ge [sflag:s25], $0x400  }
0x103: {  	[sflag:s25] =	ssyncset.done $0x0  }
0x104: {  	s0 =	simm.s32 $0x0;
	[sflag:s25] =	ssyncadd.s32 $0xFFFFFC00  }
0x105: {  	s1 =	simm.s32 $0x40;
	v1 =	vld [tilespmem:s0+$0x3300]  }
.LBB2_22:
0x106: {  	p0 =	sne.s32 s1, $0xFC0  }
.Ltmp14:
0x107: {  	_ = 	snop;
	(pc) =	sbr.rel @p0 .LBB2_22-.Ltmp14, $3  }
0x108: {  	_ =	sdelay $0x1  }
0x109: {  	s2 =	sshra.s32 s1, $0x2;
	s1 =	sadd.s32 $0x40, s1;
	v2 =	vadd.s32 $0x2800, v1  }
0x10a: {  	v1 =	vld [tilespmem:s2+$0x3300];
	[tilespmem:s0+$0x3B00] =	vst v2;
	s0 =	smov.u32 s2  }
0x10b: {  	_ =	sdelay $0x3  }
0x10c: {  	v1 =	vadd.s32 $0x2800, v1  }
0x10d: {  	s31 =	simm.s32 $0x0;
	[tilespmem:s0+$0x3B00] =	vst v1  }
0x10e: {  	[hbm4b:s13+s31] =	stream.linear.scatter [tilespmem:s29], [sflag:$0x1], $0x400, $0x38;
	[tilespmem:$0x3F00] =	vst v63  }
0x10f: {  	_ =	swait.ge [sflag:s25], $0x400  }
0x110: {  	[sflag:s25] =	ssyncset.done $0x0  }
0x111: {  	s0 =	simm.s32 $0x0;
	[sflag:s25] =	ssyncadd.s32 $0xFFFFFC00  }
0x112: {  	s1 =	simm.s32 $0x40;
	v1 =	vld [tilespmem:s0+$0x3300]  }
.LBB2_24:
0x113: {  	p0 =	sne.s32 s1, $0xFC0  }
.Ltmp15:
0x114: {  	_ = 	snop;
	(pc) =	sbr.rel @p0 .LBB2_24-.Ltmp15, $3  }
0x115: {  	_ =	sdelay $0x1  }
0x116: {  	s2 =	sshra.s32 s1, $0x2;
	s1 =	sadd.s32 $0x40, s1;
	v2 =	vadd.s32 $0x3000, v1  }
0x117: {  	v1 =	vld [tilespmem:s2+$0x3300];
	[tilespmem:s0+$0x3B00] =	vst v2;
	s0 =	smov.u32 s2  }
0x118: {  	_ =	sdelay $0x3  }
0x119: {  	v1 =	vadd.s32 $0x3000, v1  }
0x11a: {  	s31 =	simm.s32 $0x0;
	[tilespmem:s0+$0x3B00] =	vst v1  }
0x11b: {  	[hbm4b:s14+s31] =	stream.linear.scatter [tilespmem:s29], [sflag:$0x1], $0x400, $0x38;
	[tilespmem:$0x3F00] =	vst v63  }
0x11c: {  	_ =	swait.ge [sflag:s25], $0x400  }
0x11d: {  	[sflag:s25] =	ssyncset.done $0x0  }
0x11e: {  	s0 =	simm.s32 $0x0;
	[sflag:s25] =	ssyncadd.s32 $0xFFFFFC00  }
0x11f: {  	s1 =	simm.s32 $0x40;
	v1 =	vld [tilespmem:s0+$0x3300]  }
.LBB2_26:
0x120: {  	p0 =	sne.s32 s1, $0xFC0  }
.Ltmp16:
0x121: {  	_ = 	snop;
	(pc) =	sbr.rel @p0 .LBB2_26-.Ltmp16, $3  }
0x122: {  	_ =	sdelay $0x1  }
0x123: {  	s2 =	sshra.s32 s1, $0x2;
	s1 =	sadd.s32 $0x40, s1;
	v2 =	vadd.s32 $0x3800, v1  }
0x124: {  	v1 =	vld [tilespmem:s2+$0x3300];
	[tilespmem:s0+$0x3B00] =	vst v2;
	s0 =	smov.u32 s2  }
0x125: {  	_ =	sdelay $0x3  }
0x126: {  	v1 =	vadd.s32 $0x3800, v1  }
0x127: {  	s31 =	simm.s32 $0x0;
	[tilespmem:s0+$0x3B00] =	vst v1  }
0x128: {  	[hbm4b:s15+s31] =	stream.linear.scatter [tilespmem:s29], [sflag:$0x1], $0x400, $0x38;
	[tilespmem:$0x3F00] =	vst v63  }
0x129: {  	_ =	swait.ge [sflag:s25], $0x400  }
0x12a: {  	[sflag:s25] =	ssyncset.done $0x0  }
0x12b: {  	s0 =	simm.s32 $0x0;
	[sflag:s25] =	ssyncadd.s32 $0xFFFFFC00  }
0x12c: {  	s1 =	simm.s32 $0x40;
	v1 =	vld [tilespmem:s0+$0x3700]  }
.LBB2_28:
0x12d: {  	p0 =	sne.s32 s1, $0xFC0  }
.Ltmp17:
0x12e: {  	_ = 	snop;
	(pc) =	sbr.rel @p0 .LBB2_28-.Ltmp17, $3  }
0x12f: {  	_ =	sdelay $0x1  }
0x130: {  	[tilespmem:s0+$0x3B00] =	vst v1;
	s0 =	sshra.s32 s1, $0x2;
	s1 =	sadd.s32 $0x40, s1  }
0x131: {  	v1 =	vld [tilespmem:s0+$0x3700]  }
0x132: {  	_ =	sdelay $0x3  }
0x133: {  	s31 =	simm.s32 $0x0;
	[tilespmem:s0+$0x3B00] =	vst v1  }
0x134: {  	[hbm4b:s16+s31] =	stream.linear.scatter [tilespmem:s29], [sflag:$0x1], $0x400, $0x38;
	[tilespmem:$0x3F00] =	vst v63  }
0x135: {  	_ =	swait.ge [sflag:s25], $0x400  }
0x136: {  	[sflag:s25] =	ssyncset.done $0x0  }
0x137: {  	s0 =	simm.s32 $0x0;
	[sflag:s25] =	ssyncadd.s32 $0xFFFFFC00  }
0x138: {  	s1 =	simm.s32 $0x40;
	v1 =	vld [tilespmem:s0+$0x3700]  }
.LBB2_30:
0x139: {  	p0 =	sne.s32 s1, $0xFC0  }
.Ltmp18:
0x13a: {  	_ = 	snop;
	(pc) =	sbr.rel @p0 .LBB2_30-.Ltmp18, $3  }
0x13b: {  	_ =	sdelay $0x1  }
0x13c: {  	s2 =	sshra.s32 s1, $0x2;
	s1 =	sadd.s32 $0x40, s1;
	v2 =	vadd.s32 $0x800, v1  }
0x13d: {  	v1 =	vld [tilespmem:s2+$0x3700];
	[tilespmem:s0+$0x3B00] =	vst v2;
	s0 =	smov.u32 s2  }
0x13e: {  	_ =	sdelay $0x3  }
0x13f: {  	v1 =	vadd.s32 $0x800, v1  }
0x140: {  	s31 =	simm.s32 $0x0;
	[tilespmem:s0+$0x3B00] =	vst v1  }
0x141: {  	[hbm4b:s17+s31] =	stream.linear.scatter [tilespmem:s29], [sflag:$0x1], $0x400, $0x38;
	[tilespmem:$0x3F00] =	vst v63  }
0x142: {  	_ =	swait.ge [sflag:s25], $0x400  }
0x143: {  	[sflag:s25] =	ssyncset.done $0x0  }
0x144: {  	s0 =	simm.s32 $0x0;
	[sflag:s25] =	ssyncadd.s32 $0xFFFFFC00  }
0x145: {  	s1 =	simm.s32 $0x40;
	v1 =	vld [tilespmem:s0+$0x3700]  }
.LBB2_32:
0x146: {  	p0 =	sne.s32 s1, $0xFC0  }
.Ltmp19:
0x147: {  	_ = 	snop;
	(pc) =	sbr.rel @p0 .LBB2_32-.Ltmp19, $3  }
0x148: {  	_ =	sdelay $0x1  }
0x149: {  	s2 =	sshra.s32 s1, $0x2;
	s1 =	sadd.s32 $0x40, s1;
	v2 =	vadd.s32 $0x1000, v1  }
0x14a: {  	v1 =	vld [tilespmem:s2+$0x3700];
	[tilespmem:s0+$0x3B00] =	vst v2;
	s0 =	smov.u32 s2  }
0x14b: {  	_ =	sdelay $0x3  }
0x14c: {  	v1 =	vadd.s32 $0x1000, v1  }
0x14d: {  	s31 =	simm.s32 $0x0;
	[tilespmem:s0+$0x3B00] =	vst v1  }
0x14e: {  	[hbm4b:s18+s31] =	stream.linear.scatter [tilespmem:s29], [sflag:$0x1], $0x400, $0x38;
	[tilespmem:$0x3F00] =	vst v63  }
0x14f: {  	_ =	swait.ge [sflag:s25], $0x400  }
0x150: {  	[sflag:s25] =	ssyncset.done $0x0  }
0x151: {  	s0 =	simm.s32 $0x0;
	[sflag:s25] =	ssyncadd.s32 $0xFFFFFC00  }
0x152: {  	s1 =	simm.s32 $0x40;
	v1 =	vld [tilespmem:s0+$0x3700]  }
.LBB2_34:
0x153: {  	p0 =	sne.s32 s1, $0xFC0  }
.Ltmp20:
0x154: {  	_ = 	snop;
	(pc) =	sbr.rel @p0 .LBB2_34-.Ltmp20, $3  }
0x155: {  	_ =	sdelay $0x1  }
0x156: {  	s2 =	sshra.s32 s1, $0x2;
	s1 =	sadd.s32 $0x40, s1;
	v2 =	vadd.s32 $0x1800, v1  }
0x157: {  	v1 =	vld [tilespmem:s2+$0x3700];
	[tilespmem:s0+$0x3B00] =	vst v2;
	s0 =	smov.u32 s2  }
0x158: {  	_ =	sdelay $0x3  }
0x159: {  	v1 =	vadd.s32 $0x1800, v1  }
0x15a: {  	s31 =	simm.s32 $0x0;
	[tilespmem:s0+$0x3B00] =	vst v1  }
0x15b: {  	[hbm4b:s19+s31] =	stream.linear.scatter [tilespmem:s29], [sflag:$0x1], $0x400, $0x38;
	[tilespmem:$0x3F00] =	vst v63  }
0x15c: {  	_ =	swait.ge [sflag:s25], $0x400  }
0x15d: {  	[sflag:s25] =	ssyncset.done $0x0  }
0x15e: {  	s0 =	simm.s32 $0x0;
	[sflag:s25] =	ssyncadd.s32 $0xFFFFFC00  }
0x15f: {  	s1 =	simm.s32 $0x40;
	v1 =	vld [tilespmem:s0+$0x3700]  }
.LBB2_36:
0x160: {  	p0 =	sne.s32 s1, $0xFC0  }
.Ltmp21:
0x161: {  	_ = 	snop;
	(pc) =	sbr.rel @p0 .LBB2_36-.Ltmp21, $3  }
0x162: {  	_ =	sdelay $0x1  }
0x163: {  	s2 =	sshra.s32 s1, $0x2;
	s1 =	sadd.s32 $0x40, s1;
	v2 =	vadd.s32 $0x2000, v1  }
0x164: {  	v1 =	vld [tilespmem:s2+$0x3700];
	[tilespmem:s0+$0x3B00] =	vst v2;
	s0 =	smov.u32 s2  }
0x165: {  	_ =	sdelay $0x3  }
0x166: {  	v1 =	vadd.s32 $0x2000, v1  }
0x167: {  	s31 =	simm.s32 $0x0;
	[tilespmem:s0+$0x3B00] =	vst v1  }
0x168: {  	[hbm4b:s20+s31] =	stream.linear.scatter [tilespmem:s29], [sflag:$0x1], $0x400, $0x38;
	[tilespmem:$0x3F00] =	vst v63  }
0x169: {  	_ =	swait.ge [sflag:s25], $0x400  }
0x16a: {  	[sflag:s25] =	ssyncset.done $0x0  }
0x16b: {  	s0 =	simm.s32 $0x0;
	[sflag:s25] =	ssyncadd.s32 $0xFFFFFC00  }
0x16c: {  	s1 =	simm.s32 $0x40;
	v1 =	vld [tilespmem:s0+$0x3700]  }
.LBB2_38:
0x16d: {  	p0 =	sne.s32 s1, $0xFC0  }
.Ltmp22:
0x16e: {  	_ = 	snop;
	(pc) =	sbr.rel @p0 .LBB2_38-.Ltmp22, $3  }
0x16f: {  	_ =	sdelay $0x1  }
0x170: {  	s2 =	sshra.s32 s1, $0x2;
	s1 =	sadd.s32 $0x40, s1;
	v2 =	vadd.s32 $0x2800, v1  }
0x171: {  	v1 =	vld [tilespmem:s2+$0x3700];
	[tilespmem:s0+$0x3B00] =	vst v2;
	s0 =	smov.u32 s2  }
0x172: {  	_ =	sdelay $0x3  }
0x173: {  	v1 =	vadd.s32 $0x2800, v1  }
0x174: {  	s31 =	simm.s32 $0x0;
	[tilespmem:s0+$0x3B00] =	vst v1  }
0x175: {  	[hbm4b:s21+s31] =	stream.linear.scatter [tilespmem:s29], [sflag:$0x1], $0x400, $0x38;
	[tilespmem:$0x3F00] =	vst v63  }
0x176: {  	_ =	swait.ge [sflag:s25], $0x400  }
0x177: {  	[sflag:s25] =	ssyncset.done $0x0  }
0x178: {  	s0 =	simm.s32 $0x0;
	[sflag:s25] =	ssyncadd.s32 $0xFFFFFC00  }
0x179: {  	s1 =	simm.s32 $0x40;
	v1 =	vld [tilespmem:s0+$0x3700]  }
.LBB2_40:
0x17a: {  	p0 =	sne.s32 s1, $0xFC0  }
.Ltmp23:
0x17b: {  	_ = 	snop;
	(pc) =	sbr.rel @p0 .LBB2_40-.Ltmp23, $3  }
0x17c: {  	_ =	sdelay $0x1  }
0x17d: {  	s2 =	sshra.s32 s1, $0x2;
	s1 =	sadd.s32 $0x40, s1;
	v2 =	vadd.s32 $0x3000, v1  }
0x17e: {  	v1 =	vld [tilespmem:s2+$0x3700];
	[tilespmem:s0+$0x3B00] =	vst v2;
	s0 =	smov.u32 s2  }
0x17f: {  	_ =	sdelay $0x3  }
0x180: {  	v1 =	vadd.s32 $0x3000, v1  }
0x181: {  	s31 =	simm.s32 $0x0;
	[tilespmem:s0+$0x3B00] =	vst v1  }
0x182: {  	[hbm4b:s22+s31] =	stream.linear.scatter [tilespmem:s29], [sflag:$0x1], $0x400, $0x38;
	[tilespmem:$0x3F00] =	vst v63  }
0x183: {  	_ =	swait.ge [sflag:s25], $0x400  }
0x184: {  	[sflag:s25] =	ssyncset.done $0x0  }
0x185: {  	s0 =	simm.s32 $0x0;
	[sflag:s25] =	ssyncadd.s32 $0xFFFFFC00  }
0x186: {  	s1 =	simm.s32 $0x40;
	v1 =	vld [tilespmem:s0+$0x3700]  }
.LBB2_42:
0x187: {  	p0 =	sne.s32 s1, $0xFC0  }
.Ltmp24:
0x188: {  	_ = 	snop;
	(pc) =	sbr.rel @p0 .LBB2_42-.Ltmp24, $3  }
0x189: {  	_ =	sdelay $0x1  }
0x18a: {  	s2 =	sshra.s32 s1, $0x2;
	s1 =	sadd.s32 $0x40, s1;
	v2 =	vadd.s32 $0x3800, v1  }
0x18b: {  	v1 =	vld [tilespmem:s2+$0x3700];
	[tilespmem:s0+$0x3B00] =	vst v2;
	s0 =	smov.u32 s2  }
0x18c: {  	_ =	sdelay $0x2  }
0x18d: {  	s30 =	sadd.s32 $0x1, s30  }
0x18e: {  	p0 =	sne.s32 s30, s24;
	v1 =	vadd.s32 $0x3800, v1  }
.Ltmp25:
0x18f: {  	[tilespmem:s0+$0x3B00] =	vst v1;
	(pc) =	sbr.rel @p0 .LBB2_1-.Ltmp25, $4  }
0x190: {  	[hbm4b:s23+s3] =	stream.linear.scatter [tilespmem:s29], [sflag:$0x1], $0x400, $0x38;
	[tilespmem:$0x3F00] =	vst v63  }
0x191: {  	_ =	swait.ge [sflag:s25], $0x400  }
0x192: {  	[sflag:s25] =	ssyncset.done $0x0  }
0x193: {  	[sflag:s25] =	ssyncadd.s32 $0xFFFFFC00  }
0x194: {  	_ =	sfence.sel $0x180000  }
0x195: {  	[bflag:$0x0] =	sbarrier.arrive $0xFFFF  }
0x196: {  	_ =	strace $0x90000047  }
0x197: {  	s0 =	stileid.u32;
	[bflag:$0x2] =	sbarrier.arrive $0xFFFF  }
0x198: {  	p0 =	sne.s32 s0, $0x0;
	s0 =	rddreg [dreg:$0x2]  }
0x199: {  	s0 =	sadd.s32 @!p0 $0x100000, s0  }
0x19a: {  	[sflag:s0] =	ssyncadd.tile.s32 @!p0 $0x1;
	_ =	shalt  }
.Lfunc_end2:
_tile_overlayer_lowered:
.L_overlay_start_2:
0x19b: {  	(tag) =	ssettag $0x2  }
0x19c: {  	s0 =	rddreg [dreg:$0x0];
	s2 =	stileid.u32  }
0x19d: {  	s1 =	rddreg [dreg:$0x1];
	p0 =	sne.s32 s2, $0x0  }
0x19e: {  	s3 =	rddreg [dreg:$0x2];
	[bflag:$0x3] =	sbarrier.arrive $0xFFFF;
	s2 =	simm.s32 @!p0 $0x1C01  }
0x19f: {  	[timem:s3], [sflag:s2] =	dma.local @!p0 [hbm:s0], s1  }
0x1a0: {  	s0 =	simm.s32 @!p0 $0x1  }
0x1a1: {  	_ =	swait.ge @!p0 [sflag:s0], s1  }
0x1a2: {  	s1 =	ssub.s32 @!p0 $0x0, s1;
	[sflag:s0] =	ssyncset.done @!p0 $0x0  }
0x1a3: {  	[sflag:s0] =	ssyncadd.s32 @!p0 s1  }
0x1a4: {  	[bflag:$0x3] =	sbarrier.arrive $0xFFFF  }
0x1a5: {  	_ =	shalt  }

</sc_bundles>
